<compile_context>
chip_gen: v7x
topology: tpu7x:2x2x1
jax: 0.10.2.dev20260603
libtpu: 0.0.44.dev20260713+nightly
codegen_flags: <defaults>
</compile_context>

<pallas_src>
import functools

import jax
import jax.numpy as jnp
from jax import lax
from jax.experimental import pallas as pl
from jax.experimental.pallas import tpu as pltpu
from jax.experimental.pallas import tpu_sc as plsc

NC = 2
NS = 16
NW = NC * NS
K = 128


def _msg_body(x_ref, w_ref, b_ref, o_ref):
    o_ref[...] = jnp.maximum(
        jnp.dot(x_ref[...], w_ref[...], preferred_element_type=jnp.float32)
        + b_ref[...], 0.0)


def _out_body(a_ref, d_ref, x_ref, w_ref, b_ref, o_ref):
    agg = a_ref[0] + a_ref[1]
    deg = d_ref[:, 0] + d_ref[:, 1]
    feats = jnp.where((deg > 0.0)[:, None], agg, x_ref[...])
    o_ref[...] = (
        jnp.dot(feats, w_ref[...], preferred_element_type=jnp.float32)
        + b_ref[...])


def _nblocks(E):
    nb = -(-(E // K) // NW)
    return nb + (-(nb - 1)) % 4


def _make_sc_scatter(N, D, E, NP):
    TB = E // K
    P = _nblocks(E)
    RS = NP // NS
    DT = NP // NS

    mesh = plsc.VectorSubcoreMesh(core_axis_name="c", subcore_axis_name="s")

    @functools.partial(
        pl.kernel,
        out_type=[jax.ShapeDtypeStruct((NC, NP, D), jnp.float32),
                  jax.ShapeDtypeStruct((NC, NP), jnp.float32)],
        mesh=mesh,
        scratch_types=[
            pltpu.VMEM((4, 2, K), jnp.int32),
            pltpu.VMEM((2, K, D), jnp.float32),
            pltpu.VMEM((K,), jnp.float32),
            pltpu.VMEM((DT,), jnp.float32),
            pltpu.VMEM_SHARED((NP, D), jnp.float32),
            pltpu.VMEM_SHARED((NP,), jnp.float32),
            pltpu.SemaphoreType.DMA,
            pltpu.SemaphoreType.DMA,
            pltpu.SemaphoreType.DMA,
            pltpu.SemaphoreType.DMA,
            pltpu.SemaphoreType.DMA,
            pltpu.SemaphoreType.DMA,
            pltpu.SemaphoreType.DMA,
            pltpu.SemaphoreType.DMA,
            pltpu.SemaphoreType.DMA,
            pltpu.SemaphoreType.DMA,
        ],
    )
    def sc_fn(m_hbm, edge_hbm, agg_out, deg_out,
              cidx, rows2, ones_v, zdeg_v, agg_sh, deg_sh,
              gsem0, gsem1, ssem0, ssem1, dsem0, dsem1,
              isem0, isem1, isem2, isem3):
        c = lax.axis_index("c")
        s = lax.axis_index("s")
        w = c * NS + s
        rows = (rows2.at[0], rows2.at[1])
        gsems = (gsem0, gsem1)
        ssems = (ssem0, ssem1)
        dsems = (dsem0, dsem1)
        isems = (isem0, isem1, isem2, isem3)
        count = TB // NW + jnp.where(w < TB % NW, 1, 0)

        def _off(t):
            blk = jnp.minimum(w + NW * jnp.minimum(t, P - 1), TB - 1)
            return blk * K

        def load_idx(t, slot, sem):
            return pltpu.async_copy(
                edge_hbm.at[:, pl.ds(_off(t), K)], cidx.at[slot], sem)

        def gather(slot, b):
            return pltpu.async_copy(m_hbm.at[cidx.at[slot, 0]],
                                    rows[b], gsems[b])

        def scatter(slot, b):
            pltpu.async_copy(rows[b], agg_sh.at[cidx.at[slot, 1]],
                             ssems[b], add=True)
            pltpu.async_copy(ones_v, deg_sh.at[cidx.at[slot, 1]],
                             dsems[b], add=True)

        def wait_gather(slot, b):
            pltpu.make_async_copy(m_hbm.at[cidx.at[slot, 0]],
                                  rows[b], gsems[b]).wait()

        def wait_scatter(slot, b):
            pltpu.make_async_copy(rows[b], agg_sh.at[cidx.at[slot, 1]],
                                  ssems[b]).wait()
            pltpu.make_async_copy(ones_v, deg_sh.at[cidx.at[slot, 1]],
                                  dsems[b]).wait()

        def wait_idx(t, slot, sem):
            pltpu.make_async_copy(
                edge_hbm.at[:, pl.ds(_off(t), K)], cidx.at[slot], sem).wait()

        for g in range(K // 16):
            ones_v[pl.ds(g * 16, 16)] = jnp.ones((16,), jnp.float32)

        def zrow_body(r, _):
            for g in range(D // 16):
                rows2[0, r, pl.ds(g * 16, 16)] = jnp.zeros((16,), jnp.float32)
            return 0
        lax.fori_loop(0, K, zrow_body, 0)

        def zdeg_body(r, _):
            zdeg_v[pl.ds(r * 16, 16)] = jnp.zeros((16,), jnp.float32)
            return 0
        lax.fori_loop(0, DT // 16, zdeg_body, 0)

        for t in range(RS // K):
            pltpu.sync_copy(rows2.at[0], agg_sh.at[pl.ds(s * RS + t * K, K)])
        pltpu.sync_copy(zdeg_v, deg_sh.at[pl.ds(s * DT, DT)])

        plsc.subcore_barrier()

        for q in range(4):
            load_idx(q, q, isems[q])
        wait_idx(0, 0, isems[0])
        gather(0, 0)
        wait_idx(1, 1, isems[1])
        gather(1, 1)

        def pbody(j4, _):
            j = 4 * j4
            for h in range(2):
                q0, q1 = 2 * h, 2 * h + 1
                n0, n1 = (2 * h + 2) % 4, (2 * h + 3) % 4
                t0, t1 = j + q0, j + q1
                wait_gather(q0, 0)

                @pl.when(t0 < count)
                def _():
                    scatter(q0, 0)
                wait_gather(q1, 1)

                @pl.when(t1 < count)
                def _():
                    scatter(q1, 1)

                @pl.when(t0 < count)
                def _():
                    wait_scatter(q0, 0)
                load_idx(t0 + 4, q0, isems[q0])
                wait_idx(j + n0, n0, isems[n0])
                gather(n0, 0)

                @pl.when(t1 < count)
                def _():
                    wait_scatter(q1, 1)
                load_idx(t1 + 4, q1, isems[q1])
                wait_idx(j + n1, n1, isems[n1])
                gather(n1, 1)
            return 0
        lax.fori_loop(0, (P - 1) // 4, pbody, 0)

        wait_gather(0, 0)

        @pl.when(P - 1 < count)
        def _():
            scatter(0, 0)
        wait_gather(1, 1)
        wait_idx(P - 1, 2, isems[2])
        wait_idx(P - 1, 3, isems[3])

        @pl.when(P - 1 < count)
        def _():
            wait_scatter(0, 0)

        plsc.subcore_barrier()

        sl = pl.ds(s * RS, RS)
        pltpu.sync_copy(agg_sh.at[sl], agg_out.at[c, sl])
        pltpu.sync_copy(deg_sh.at[pl.ds(s * DT, DT)],
                        deg_out.at[c, pl.ds(s * DT, DT)])

    return sc_fn


def kernel(node_feats, edge_index, W_m, b_m, W_f, b_f):
    N, D = node_feats.shape
    E = edge_index.shape[1]
    NP = ((N + NW * 16 - 1) // (NW * 16)) * (NW * 16)

    BLK = 2048
    grid = (pl.cdiv(N, BLK),)

    M = pl.pallas_call(
        _msg_body,
        grid=grid,
        in_specs=[pl.BlockSpec((BLK, D), lambda i: (i, 0)),
                  pl.BlockSpec((D, D), lambda i: (0, 0)),
                  pl.BlockSpec((1, D), lambda i: (0, 0))],
        out_specs=pl.BlockSpec((BLK, D), lambda i: (i, 0)),
        out_shape=jax.ShapeDtypeStruct((N, D), jnp.float32),
    )(node_feats, W_m.T, b_m[None, :])

    agg_parts, deg_parts = _make_sc_scatter(N, D, E, NP)(M, edge_index)

    out = pl.pallas_call(
        _out_body,
        grid=grid,
        in_specs=[pl.BlockSpec((NC, BLK, D), lambda i: (0, i, 0)),
                  pl.BlockSpec((BLK, NC), lambda i: (i, 0)),
                  pl.BlockSpec((BLK, D), lambda i: (i, 0)),
                  pl.BlockSpec((D, D), lambda i: (0, 0)),
                  pl.BlockSpec((1, D), lambda i: (0, 0))],
        out_specs=pl.BlockSpec((BLK, D), lambda i: (i, 0)),
        out_shape=jax.ShapeDtypeStruct((N, D), jnp.float32),
    )(agg_parts, deg_parts[:, :N].T, node_feats, W_f.T, b_f[None, :])
    return out

# --- scband reference (transcript-rebuilt; emitter-appended) ---
"""Pipeline reference for scband-mplayer-50328426774758 (READ-ONLY COPY).

The authoritative reference and input builder live on the scoring server;
editing this copy changes nothing except your own understanding.
"""

import jax, jax.numpy as jnp
import numpy as np

N_NODES = 10000
N_EDGES = 320000
D = 128


def setup_inputs(seed: int = 0) -> dict:
    key = jax.random.key(seed)
    k1, k2, k3, k4, k5, k6 = jax.random.split(key, 6)
    node_feats = jax.random.normal(k1, (N_NODES, D), dtype=jnp.float32)
    edge_index = jax.random.randint(k2, (2, N_EDGES), 0, N_NODES, dtype=jnp.int32)
    bound = 1.0 / np.sqrt(D)
    W_m = jax.random.uniform(k3, (D, D), dtype=jnp.float32, minval=-bound, maxval=bound)
    b_m = jax.random.uniform(k4, (D,), dtype=jnp.float32, minval=-bound, maxval=bound)
    W_f = jax.random.uniform(k5, (D, D), dtype=jnp.float32, minval=-bound, maxval=bound)
    b_f = jax.random.uniform(k6, (D,), dtype=jnp.float32, minval=-bound, maxval=bound)
    return {"node_feats": node_feats, "edge_index": edge_index, "W_m": W_m, "b_m": b_m, "W_f": W_f, "b_f": b_f}


def reference(node_feats, edge_index, W_m, b_m, W_f, b_f):
    src = edge_index[0]
    dst = edge_index[1]
    # message: relu(Linear(src features))
    msg = jax.nn.relu(jnp.take(node_feats, src, axis=0) @ W_m.T + b_m)
    # reduce: sum of incoming messages per destination node
    agg = jax.ops.segment_sum(msg, dst, num_segments=node_feats.shape[0])
    # DGL send/recv semantics: nodes receiving no messages keep their original features
    deg = jax.ops.segment_sum(jnp.ones((dst.shape[0],), dtype=jnp.float32), dst, num_segments=node_feats.shape[0])
    feats = jnp.where((deg > 0)[:, None], agg, node_feats)
    # forward layer
    out = feats @ W_f.T + b_f
    return out

if __name__ == "__main__":
    import jax
    _d = setup_inputs()
    print(jax.jit(kernel)(*tuple(_d.values())))

</pallas_src>

<mosaic_0001>
#map = affine_map<(d0, d1) -> (0, 0)>
#map1 = affine_map<(d0, d1) -> (0, 0, 0)>
module attributes {stable_mosaic.version = 14 : i64} {
  func.func @sc_fn(%arg0: i32, %arg1: i32, %arg2: memref<10000x128xf32, #tpu.memory_space<hbm>>, %arg3: memref<2x320000xi32, #tpu.memory_space<hbm>>, %arg4: memref<2x10240x128xf32, #tpu.memory_space<hbm>>, %arg5: memref<2x10240xf32, #tpu.memory_space<hbm>>, %arg6: memref<4x2x128xi32, #tpu.memory_space<vmem>>, %arg7: memref<2x128x128xf32, #tpu.memory_space<vmem>>, %arg8: memref<128xf32, #tpu.memory_space<vmem>>, %arg9: memref<640xf32, #tpu.memory_space<vmem>>, %arg10: memref<10240x128xf32, #tpu.memory_space<vmem_shared>>, %arg11: memref<10240xf32, #tpu.memory_space<vmem_shared>>, %arg12: memref<!tpu.dma_semaphore, #tpu.memory_space<semaphore_mem>>, %arg13: memref<!tpu.dma_semaphore, #tpu.memory_space<semaphore_mem>>, %arg14: memref<!tpu.dma_semaphore, #tpu.memory_space<semaphore_mem>>, %arg15: memref<!tpu.dma_semaphore, #tpu.memory_space<semaphore_mem>>, %arg16: memref<!tpu.dma_semaphore, #tpu.memory_space<semaphore_mem>>, %arg17: memref<!tpu.dma_semaphore, #tpu.memory_space<semaphore_mem>>, %arg18: memref<!tpu.dma_semaphore, #tpu.memory_space<semaphore_mem>>, %arg19: memref<!tpu.dma_semaphore, #tpu.memory_space<semaphore_mem>>, %arg20: memref<!tpu.dma_semaphore, #tpu.memory_space<semaphore_mem>>, %arg21: memref<!tpu.dma_semaphore, #tpu.memory_space<semaphore_mem>>) attributes {dimension_semantics = [#tpu.dimension_semantics<core_parallel>, #tpu.dimension_semantics<subcore_parallel>], iteration_bounds = array<i64: 2, 16>, scalar_prefetch = 0 : i64, scratch_operands = 16 : i64, tpu.core_type = #tpu.core_type<sc_vector_subcore>, window_params = [{transform_indices = #map}, {transform_indices = #map}, {transform_indices = #map1}, {transform_indices = #map}]} {
    %mul3A = arith.constant 16 : i32
    %mul3A_0 = arith.muli %arg0, %mul3A : i32
    %add3A = arith.addi %mul3A_0, %arg1 : i32
    %lt3A = arith.constant 4 : i32
    %lt3A_1 = arith.cmpi slt, %add3A, %lt3A : i32
    %jit3A = arith.constant 1 : i32
    %jit3A_2 = arith.constant 0 : i32
    %select_n3A = arith.select %lt3A_1, %jit3A, %jit3A_2 : i32
    %add3A_3 = arith.constant 78 : i32
    %add3A_4 = arith.addi %add3A_3, %select_n3A : i32
    %broadcast_in_dim3A = arith.constant 1.000000e+00 : f32
    %broadcast_in_dim3A_5 = vector.broadcast %broadcast_in_dim3A : f32 to vector<16xf32>
    %swap3A = arith.constant 0 : index
    %swap3A_6 = tpu.vector_load %arg8[%swap3A] {strides = array<i32>} : memref<128xf32, #tpu.memory_space<vmem>>, vector<16xf32>,
    %swap3A_7 = vector.shape_cast %swap3A_6 : vector<16xf32> to vector<16xf32>
    %swap3A_8 = vector.shape_cast %broadcast_in_dim3A_5 : vector<16xf32> to vector<16xf32>
    tpu.vector_store %arg8[%swap3A], %swap3A_8 {strides = array<i32>} : memref<128xf32, #tpu.memory_space<vmem>>, vector<16xf32>,
    %broadcast_in_dim3A_9 = arith.constant 1.000000e+00 : f32
    %broadcast_in_dim3A_10 = vector.broadcast %broadcast_in_dim3A_9 : f32 to vector<16xf32>
    %swap3A_11 = arith.constant 16 : index
    %swap3A_12 = tpu.vector_load %arg8[%swap3A_11] {strides = array<i32>} : memref<128xf32, #tpu.memory_space<vmem>>, vector<16xf32>,
    %swap3A_13 = vector.shape_cast %swap3A_12 : vector<16xf32> to vector<16xf32>
    %swap3A_14 = vector.shape_cast %broadcast_in_dim3A_10 : vector<16xf32> to vector<16xf32>
    tpu.vector_store %arg8[%swap3A_11], %swap3A_14 {strides = array<i32>} : memref<128xf32, #tpu.memory_space<vmem>>, vector<16xf32>,
    %broadcast_in_dim3A_15 = arith.constant 1.000000e+00 : f32
    %broadcast_in_dim3A_16 = vector.broadcast %broadcast_in_dim3A_15 : f32 to vector<16xf32>
    %swap3A_17 = arith.constant 32 : index
    %swap3A_18 = tpu.vector_load %arg8[%swap3A_17] {strides = array<i32>} : memref<128xf32, #tpu.memory_space<vmem>>, vector<16xf32>,
    %swap3A_19 = vector.shape_cast %swap3A_18 : vector<16xf32> to vector<16xf32>
    %swap3A_20 = vector.shape_cast %broadcast_in_dim3A_16 : vector<16xf32> to vector<16xf32>
    tpu.vector_store %arg8[%swap3A_17], %swap3A_20 {strides = array<i32>} : memref<128xf32, #tpu.memory_space<vmem>>, vector<16xf32>,
    %broadcast_in_dim3A_21 = arith.constant 1.000000e+00 : f32
    %broadcast_in_dim3A_22 = vector.broadcast %broadcast_in_dim3A_21 : f32 to vector<16xf32>
    %swap3A_23 = arith.constant 48 : index
    %swap3A_24 = tpu.vector_load %arg8[%swap3A_23] {strides = array<i32>} : memref<128xf32, #tpu.memory_space<vmem>>, vector<16xf32>,
    %swap3A_25 = vector.shape_cast %swap3A_24 : vector<16xf32> to vector<16xf32>
    %swap3A_26 = vector.shape_cast %broadcast_in_dim3A_22 : vector<16xf32> to vector<16xf32>
    tpu.vector_store %arg8[%swap3A_23], %swap3A_26 {strides = array<i32>} : memref<128xf32, #tpu.memory_space<vmem>>, vector<16xf32>,
    %broadcast_in_dim3A_27 = arith.constant 1.000000e+00 : f32
    %broadcast_in_dim3A_28 = vector.broadcast %broadcast_in_dim3A_27 : f32 to vector<16xf32>
    %swap3A_29 = arith.constant 64 : index
    %swap3A_30 = tpu.vector_load %arg8[%swap3A_29] {strides = array<i32>} : memref<128xf32, #tpu.memory_space<vmem>>, vector<16xf32>,
    %swap3A_31 = vector.shape_cast %swap3A_30 : vector<16xf32> to vector<16xf32>
    %swap3A_32 = vector.shape_cast %broadcast_in_dim3A_28 : vector<16xf32> to vector<16xf32>
    tpu.vector_store %arg8[%swap3A_29], %swap3A_32 {strides = array<i32>} : memref<128xf32, #tpu.memory_space<vmem>>, vector<16xf32>,
    %broadcast_in_dim3A_33 = arith.constant 1.000000e+00 : f32
    %broadcast_in_dim3A_34 = vector.broadcast %broadcast_in_dim3A_33 : f32 to vector<16xf32>
    %swap3A_35 = arith.constant 80 : index
    %swap3A_36 = tpu.vector_load %arg8[%swap3A_35] {strides = array<i32>} : memref<128xf32, #tpu.memory_space<vmem>>, vector<16xf32>,
    %swap3A_37 = vector.shape_cast %swap3A_36 : vector<16xf32> to vector<16xf32>
    %swap3A_38 = vector.shape_cast %broadcast_in_dim3A_34 : vector<16xf32> to vector<16xf32>
    tpu.vector_store %arg8[%swap3A_35], %swap3A_38 {strides = array<i32>} : memref<128xf32, #tpu.memory_space<vmem>>, vector<16xf32>,
    %broadcast_in_dim3A_39 = arith.constant 1.000000e+00 : f32
    %broadcast_in_dim3A_40 = vector.broadcast %broadcast_in_dim3A_39 : f32 to vector<16xf32>
    %swap3A_41 = arith.constant 96 : index
    %swap3A_42 = tpu.vector_load %arg8[%swap3A_41] {strides = array<i32>} : memref<128xf32, #tpu.memory_space<vmem>>, vector<16xf32>,
    %swap3A_43 = vector.shape_cast %swap3A_42 : vector<16xf32> to vector<16xf32>
    %swap3A_44 = vector.shape_cast %broadcast_in_dim3A_40 : vector<16xf32> to vector<16xf32>
    tpu.vector_store %arg8[%swap3A_41], %swap3A_44 {strides = array<i32>} : memref<128xf32, #tpu.memory_space<vmem>>, vector<16xf32>,
    %broadcast_in_dim3A_45 = arith.constant 1.000000e+00 : f32
    %broadcast_in_dim3A_46 = vector.broadcast %broadcast_in_dim3A_45 : f32 to vector<16xf32>
    %swap3A_47 = arith.constant 112 : index
    %swap3A_48 = tpu.vector_load %arg8[%swap3A_47] {strides = array<i32>} : memref<128xf32, #tpu.memory_space<vmem>>, vector<16xf32>,
    %swap3A_49 = vector.shape_cast %swap3A_48 : vector<16xf32> to vector<16xf32>
    %swap3A_50 = vector.shape_cast %broadcast_in_dim3A_46 : vector<16xf32> to vector<16xf32>
    tpu.vector_store %arg8[%swap3A_47], %swap3A_50 {strides = array<i32>} : memref<128xf32, #tpu.memory_space<vmem>>, vector<16xf32>,
    %scan3A = arith.constant 0 : i32
    %scan3A_51 = arith.constant 0 : i32
    %scan3A_52 = arith.constant 128 : i32
    %scan3A_53 = arith.addi %scan3A_51, %scan3A_52 : i32
    %scan3A_54 = arith.constant 1 : i32
    %scan3A_55 = scf.for %scan3A_348 = %scan3A_51 to %scan3A_53 step %scan3A_54 iter_args(%scan3A_349 = %scan3A) -> (i32)  : i32 {
      %broadcast_in_dim3A_350 = arith.constant 0.000000e+00 : f32
      %broadcast_in_dim3A_351 = vector.broadcast %broadcast_in_dim3A_350 : f32 to vector<16xf32>
      %swap3A_352 = arith.constant 0 : i32
      %swap3A_353 = arith.index_cast %swap3A_352 : i32 to index
      %swap3A_354 = arith.index_cast %scan3A_348 : i32 to index
      %swap3A_355 = arith.constant 0 : index
      %swap3A_356 = tpu.vector_load %arg7[%swap3A_353, %swap3A_354, %swap3A_355] {strides = array<i32>} : memref<2x128x128xf32, #tpu.memory_space<vmem>>, vector<1x1x16xf32>,
      %swap3A_357 = vector.shape_cast %swap3A_356 : vector<1x1x16xf32> to vector<16xf32>
      %swap3A_358 = vector.shape_cast %broadcast_in_dim3A_351 : vector<16xf32> to vector<1x1x16xf32>
      tpu.vector_store %arg7[%swap3A_353, %swap3A_354, %swap3A_355], %swap3A_358 {strides = array<i32>} : memref<2x128x128xf32, #tpu.memory_space<vmem>>, vector<1x1x16xf32>,
      %broadcast_in_dim3A_359 = arith.constant 0.000000e+00 : f32
      %broadcast_in_dim3A_360 = vector.broadcast %broadcast_in_dim3A_359 : f32 to vector<16xf32>
      %swap3A_361 = arith.constant 0 : i32
      %swap3A_362 = arith.index_cast %swap3A_361 : i32 to index
      %swap3A_363 = arith.index_cast %scan3A_348 : i32 to index
      %swap3A_364 = arith.constant 16 : index
      %swap3A_365 = tpu.vector_load %arg7[%swap3A_362, %swap3A_363, %swap3A_364] {strides = array<i32>} : memref<2x128x128xf32, #tpu.memory_space<vmem>>, vector<1x1x16xf32>,
      %swap3A_366 = vector.shape_cast %swap3A_365 : vector<1x1x16xf32> to vector<16xf32>
      %swap3A_367 = vector.shape_cast %broadcast_in_dim3A_360 : vector<16xf32> to vector<1x1x16xf32>
      tpu.vector_store %arg7[%swap3A_362, %swap3A_363, %swap3A_364], %swap3A_367 {strides = array<i32>} : memref<2x128x128xf32, #tpu.memory_space<vmem>>, vector<1x1x16xf32>,
      %broadcast_in_dim3A_368 = arith.constant 0.000000e+00 : f32
      %broadcast_in_dim3A_369 = vector.broadcast %broadcast_in_dim3A_368 : f32 to vector<16xf32>
      %swap3A_370 = arith.constant 0 : i32
      %swap3A_371 = arith.index_cast %swap3A_370 : i32 to index
      %swap3A_372 = arith.index_cast %scan3A_348 : i32 to index
      %swap3A_373 = arith.constant 32 : index
      %swap3A_374 = tpu.vector_load %arg7[%swap3A_371, %swap3A_372, %swap3A_373] {strides = array<i32>} : memref<2x128x128xf32, #tpu.memory_space<vmem>>, vector<1x1x16xf32>,
      %swap3A_375 = vector.shape_cast %swap3A_374 : vector<1x1x16xf32> to vector<16xf32>
      %swap3A_376 = vector.shape_cast %broadcast_in_dim3A_369 : vector<16xf32> to vector<1x1x16xf32>
      tpu.vector_store %arg7[%swap3A_371, %swap3A_372, %swap3A_373], %swap3A_376 {strides = array<i32>} : memref<2x128x128xf32, #tpu.memory_space<vmem>>, vector<1x1x16xf32>,
      %broadcast_in_dim3A_377 = arith.constant 0.000000e+00 : f32
      %broadcast_in_dim3A_378 = vector.broadcast %broadcast_in_dim3A_377 : f32 to vector<16xf32>
      %swap3A_379 = arith.constant 0 : i32
      %swap3A_380 = arith.index_cast %swap3A_379 : i32 to index
      %swap3A_381 = arith.index_cast %scan3A_348 : i32 to index
      %swap3A_382 = arith.constant 48 : index
      %swap3A_383 = tpu.vector_load %arg7[%swap3A_380, %swap3A_381, %swap3A_382] {strides = array<i32>} : memref<2x128x128xf32, #tpu.memory_space<vmem>>, vector<1x1x16xf32>,
      %swap3A_384 = vector.shape_cast %swap3A_383 : vector<1x1x16xf32> to vector<16xf32>
      %swap3A_385 = vector.shape_cast %broadcast_in_dim3A_378 : vector<16xf32> to vector<1x1x16xf32>
      tpu.vector_store %arg7[%swap3A_380, %swap3A_381, %swap3A_382], %swap3A_385 {strides = array<i32>} : memref<2x128x128xf32, #tpu.memory_space<vmem>>, vector<1x1x16xf32>,
      %broadcast_in_dim3A_386 = arith.constant 0.000000e+00 : f32
      %broadcast_in_dim3A_387 = vector.broadcast %broadcast_in_dim3A_386 : f32 to vector<16xf32>
      %swap3A_388 = arith.constant 0 : i32
      %swap3A_389 = arith.index_cast %swap3A_388 : i32 to index
      %swap3A_390 = arith.index_cast %scan3A_348 : i32 to index
      %swap3A_391 = arith.constant 64 : index
      %swap3A_392 = tpu.vector_load %arg7[%swap3A_389, %swap3A_390, %swap3A_391] {strides = array<i32>} : memref<2x128x128xf32, #tpu.memory_space<vmem>>, vector<1x1x16xf32>,
      %swap3A_393 = vector.shape_cast %swap3A_392 : vector<1x1x16xf32> to vector<16xf32>
      %swap3A_394 = vector.shape_cast %broadcast_in_dim3A_387 : vector<16xf32> to vector<1x1x16xf32>
      tpu.vector_store %arg7[%swap3A_389, %swap3A_390, %swap3A_391], %swap3A_394 {strides = array<i32>} : memref<2x128x128xf32, #tpu.memory_space<vmem>>, vector<1x1x16xf32>,
      %broadcast_in_dim3A_395 = arith.constant 0.000000e+00 : f32
      %broadcast_in_dim3A_396 = vector.broadcast %broadcast_in_dim3A_395 : f32 to vector<16xf32>
      %swap3A_397 = arith.constant 0 : i32
      %swap3A_398 = arith.index_cast %swap3A_397 : i32 to index
      %swap3A_399 = arith.index_cast %scan3A_348 : i32 to index
      %swap3A_400 = arith.constant 80 : index
      %swap3A_401 = tpu.vector_load %arg7[%swap3A_398, %swap3A_399, %swap3A_400] {strides = array<i32>} : memref<2x128x128xf32, #tpu.memory_space<vmem>>, vector<1x1x16xf32>,
      %swap3A_402 = vector.shape_cast %swap3A_401 : vector<1x1x16xf32> to vector<16xf32>
      %swap3A_403 = vector.shape_cast %broadcast_in_dim3A_396 : vector<16xf32> to vector<1x1x16xf32>
      tpu.vector_store %arg7[%swap3A_398, %swap3A_399, %swap3A_400], %swap3A_403 {strides = array<i32>} : memref<2x128x128xf32, #tpu.memory_space<vmem>>, vector<1x1x16xf32>,
      %broadcast_in_dim3A_404 = arith.constant 0.000000e+00 : f32
      %broadcast_in_dim3A_405 = vector.broadcast %broadcast_in_dim3A_404 : f32 to vector<16xf32>
      %swap3A_406 = arith.constant 0 : i32
      %swap3A_407 = arith.index_cast %swap3A_406 : i32 to index
      %swap3A_408 = arith.index_cast %scan3A_348 : i32 to index
      %swap3A_409 = arith.constant 96 : index
      %swap3A_410 = tpu.vector_load %arg7[%swap3A_407, %swap3A_408, %swap3A_409] {strides = array<i32>} : memref<2x128x128xf32, #tpu.memory_space<vmem>>, vector<1x1x16xf32>,
      %swap3A_411 = vector.shape_cast %swap3A_410 : vector<1x1x16xf32> to vector<16xf32>
      %swap3A_412 = vector.shape_cast %broadcast_in_dim3A_405 : vector<16xf32> to vector<1x1x16xf32>
      tpu.vector_store %arg7[%swap3A_407, %swap3A_408, %swap3A_409], %swap3A_412 {strides = array<i32>} : memref<2x128x128xf32, #tpu.memory_space<vmem>>, vector<1x1x16xf32>,
      %broadcast_in_dim3A_413 = arith.constant 0.000000e+00 : f32
      %broadcast_in_dim3A_414 = vector.broadcast %broadcast_in_dim3A_413 : f32 to vector<16xf32>
      %swap3A_415 = arith.constant 0 : i32
      %swap3A_416 = arith.index_cast %swap3A_415 : i32 to index
      %swap3A_417 = arith.index_cast %scan3A_348 : i32 to index
      %swap3A_418 = arith.constant 112 : index
      %swap3A_419 = tpu.vector_load %arg7[%swap3A_416, %swap3A_417, %swap3A_418] {strides = array<i32>} : memref<2x128x128xf32, #tpu.memory_space<vmem>>, vector<1x1x16xf32>,
      %swap3A_420 = vector.shape_cast %swap3A_419 : vector<1x1x16xf32> to vector<16xf32>
      %swap3A_421 = vector.shape_cast %broadcast_in_dim3A_414 : vector<16xf32> to vector<1x1x16xf32>
      tpu.vector_store %arg7[%swap3A_416, %swap3A_417, %swap3A_418], %swap3A_421 {strides = array<i32>} : memref<2x128x128xf32, #tpu.memory_space<vmem>>, vector<1x1x16xf32>,
      %scan3A_422 = arith.constant 0 : i32
      scf.yield %scan3A_422 : i32
    }
    %scan3A_56 = arith.constant 128 : i32
    %scan3A_57 = arith.constant 0 : i32
    %scan3A_58 = arith.constant 0 : i32
    %scan3A_59 = arith.constant 40 : i32
    %scan3A_60 = arith.addi %scan3A_58, %scan3A_59 : i32
    %scan3A_61 = arith.constant 1 : i32
    %scan3A_62 = scf.for %scan3A_348 = %scan3A_58 to %scan3A_60 step %scan3A_61 iter_args(%scan3A_349 = %scan3A_57) -> (i32)  : i32 {
      %broadcast_in_dim3A_350 = arith.constant 0.000000e+00 : f32
      %broadcast_in_dim3A_351 = vector.broadcast %broadcast_in_dim3A_350 : f32 to vector<16xf32>
      %mul3A_352 = arith.constant 16 : i32
      %mul3A_353 = arith.muli %scan3A_348, %mul3A_352 : i32
      %swap3A_354 = arith.index_cast %mul3A_353 : i32 to index
      %swap3A_355 = tpu.vector_load %arg9[%swap3A_354] {strides = array<i32>} : memref<640xf32, #tpu.memory_space<vmem>>, vector<16xf32>,
      %swap3A_356 = vector.shape_cast %swap3A_355 : vector<16xf32> to vector<16xf32>
      %swap3A_357 = vector.shape_cast %broadcast_in_dim3A_351 : vector<16xf32> to vector<16xf32>
      tpu.vector_store %arg9[%swap3A_354], %swap3A_357 {strides = array<i32>} : memref<640xf32, #tpu.memory_space<vmem>>, vector<16xf32>,
      %scan3A_358 = arith.constant 0 : i32
      scf.yield %scan3A_358 : i32
    }
    %scan3A_63 = arith.constant 40 : i32
    %mul3A_64 = arith.constant 640 : i32
    %mul3A_65 = arith.muli %arg1, %mul3A_64 : i32
    %add3A_66 = arith.constant 0 : i32
    %add3A_67 = arith.addi %mul3A_65, %add3A_66 : i32
    %run_scoped3A = arith.constant 0 : i32
    "tpu.region"() ({
      %run_scoped3A_348 = tpu.sem_alloc : memref<!tpu.dma_semaphore, #tpu.memory_space<semaphore_mem>>
      %dma_start3A_349 = arith.constant 0 : i32
      %dma_start3A_350 = arith.constant 0 : i32
      %dma_start3A_351 = tpu.memref_slice %arg7[%run_scoped3A, %dma_start3A_349, %dma_start3A_350] : memref<2x128x128xf32, #tpu.memory_space<vmem>> -> memref<1x128x128xf32, #tpu.memory_space<vmem>>
      %dma_start3A_352 = tpu.memref_squeeze %dma_start3A_351 : memref<1x128x128xf32, #tpu.memory_space<vmem>> -> memref<128x128xf32, #tpu.memory_space<vmem>>
      %dma_start3A_353 = arith.constant 0 : i32
      %dma_start3A_354 = tpu.memref_slice %arg10[%add3A_67, %dma_start3A_353] : memref<10240x128xf32, #tpu.memory_space<vmem_shared>> -> memref<128x128xf32, #tpu.memory_space<vmem_shared>>
      %dma_start3A_355 = arith.constant 0 : i32
      %dma_start3A_356 = tpu.memref_slice %arg10[%add3A_67, %dma_start3A_355] : memref<10240x128xf32, #tpu.memory_space<vmem_shared>> -> memref<128x128xf32, #tpu.memory_space<vmem_shared>>
      %dma_start3A_357 = arith.constant 0 : i32
      %dma_start3A_358 = arith.constant 0 : i32
      %dma_start3A_359 = tpu.memref_slice %arg7[%run_scoped3A, %dma_start3A_357, %dma_start3A_358] : memref<2x128x128xf32, #tpu.memory_space<vmem>> -> memref<1x128x128xf32, #tpu.memory_space<vmem>>
      %dma_start3A_360 = tpu.memref_squeeze %dma_start3A_359 : memref<1x128x128xf32, #tpu.memory_space<vmem>> -> memref<128x128xf32, #tpu.memory_space<vmem>>
      tpu.enqueue_dma source(%dma_start3A_360 : memref<128x128xf32, #tpu.memory_space<vmem>>) target(%dma_start3A_356 : memref<128x128xf32, #tpu.memory_space<vmem_shared>>) target_semaphore(%run_scoped3A_348 : memref<!tpu.dma_semaphore, #tpu.memory_space<semaphore_mem>>)
      %dma_wait3A_361 = arith.constant 0 : i32
      %dma_wait3A_362 = arith.constant 0 : i32
      %dma_wait3A_363 = tpu.memref_slice %arg7[%run_scoped3A, %dma_wait3A_361, %dma_wait3A_362] : memref<2x128x128xf32, #tpu.memory_space<vmem>> -> memref<1x128x128xf32, #tpu.memory_space<vmem>>
      %dma_wait3A_364 = tpu.memref_squeeze %dma_wait3A_363 : memref<1x128x128xf32, #tpu.memory_space<vmem>> -> memref<128x128xf32, #tpu.memory_space<vmem>>
      %dma_wait3A_365 = arith.constant 0 : i32
      %dma_wait3A_366 = tpu.memref_slice %arg10[%add3A_67, %dma_wait3A_365] : memref<10240x128xf32, #tpu.memory_space<vmem_shared>> -> memref<128x128xf32, #tpu.memory_space<vmem_shared>>
      %dma_wait3A_367 = arith.constant 0 : i32
      %dma_wait3A_368 = tpu.memref_slice %arg10[%add3A_67, %dma_wait3A_367] : memref<10240x128xf32, #tpu.memory_space<vmem_shared>> -> memref<128x128xf32, #tpu.memory_space<vmem_shared>>
      %dma_wait3A_369 = arith.constant 0 : i32
      %dma_wait3A_370 = arith.constant 0 : i32
      %dma_wait3A_371 = tpu.memref_slice %arg7[%run_scoped3A, %dma_wait3A_369, %dma_wait3A_370] : memref<2x128x128xf32, #tpu.memory_space<vmem>> -> memref<1x128x128xf32, #tpu.memory_space<vmem>>
      %dma_wait3A_372 = tpu.memref_squeeze %dma_wait3A_371 : memref<1x128x128xf32, #tpu.memory_space<vmem>> -> memref<128x128xf32, #tpu.memory_space<vmem>>
      tpu.wait_dma2 semaphore(%run_scoped3A_348 : memref<!tpu.dma_semaphore, #tpu.memory_space<semaphore_mem>>) src(%dma_wait3A_372 : memref<128x128xf32, #tpu.memory_space<vmem>>) dst(%dma_wait3A_368 : memref<128x128xf32, #tpu.memory_space<vmem_shared>>)
      tpu.yield
    }) : () -> ()
    %mul3A_68 = arith.constant 640 : i32
    %mul3A_69 = arith.muli %arg1, %mul3A_68 : i32
    %add3A_70 = arith.constant 128 : i32
    %add3A_71 = arith.addi %mul3A_69, %add3A_70 : i32
    %run_scoped3A_72 = arith.constant 0 : i32
    "tpu.region"() ({
      %run_scoped3A_348 = tpu.sem_alloc : memref<!tpu.dma_semaphore, #tpu.memory_space<semaphore_mem>>
      %dma_start3A_349 = arith.constant 0 : i32
      %dma_start3A_350 = arith.constant 0 : i32
      %dma_start3A_351 = tpu.memref_slice %arg7[%run_scoped3A_72, %dma_start3A_349, %dma_start3A_350] : memref<2x128x128xf32, #tpu.memory_space<vmem>> -> memref<1x128x128xf32, #tpu.memory_space<vmem>>
      %dma_start3A_352 = tpu.memref_squeeze %dma_start3A_351 : memref<1x128x128xf32, #tpu.memory_space<vmem>> -> memref<128x128xf32, #tpu.memory_space<vmem>>
      %dma_start3A_353 = arith.constant 0 : i32
      %dma_start3A_354 = tpu.memref_slice %arg10[%add3A_71, %dma_start3A_353] : memref<10240x128xf32, #tpu.memory_space<vmem_shared>> -> memref<128x128xf32, #tpu.memory_space<vmem_shared>>
      %dma_start3A_355 = arith.constant 0 : i32
      %dma_start3A_356 = tpu.memref_slice %arg10[%add3A_71, %dma_start3A_355] : memref<10240x128xf32, #tpu.memory_space<vmem_shared>> -> memref<128x128xf32, #tpu.memory_space<vmem_shared>>
      %dma_start3A_357 = arith.constant 0 : i32
      %dma_start3A_358 = arith.constant 0 : i32
      %dma_start3A_359 = tpu.memref_slice %arg7[%run_scoped3A_72, %dma_start3A_357, %dma_start3A_358] : memref<2x128x128xf32, #tpu.memory_space<vmem>> -> memref<1x128x128xf32, #tpu.memory_space<vmem>>
      %dma_start3A_360 = tpu.memref_squeeze %dma_start3A_359 : memref<1x128x128xf32, #tpu.memory_space<vmem>> -> memref<128x128xf32, #tpu.memory_space<vmem>>
      tpu.enqueue_dma source(%dma_start3A_360 : memref<128x128xf32, #tpu.memory_space<vmem>>) target(%dma_start3A_356 : memref<128x128xf32, #tpu.memory_space<vmem_shared>>) target_semaphore(%run_scoped3A_348 : memref<!tpu.dma_semaphore, #tpu.memory_space<semaphore_mem>>)
      %dma_wait3A_361 = arith.constant 0 : i32
      %dma_wait3A_362 = arith.constant 0 : i32
      %dma_wait3A_363 = tpu.memref_slice %arg7[%run_scoped3A_72, %dma_wait3A_361, %dma_wait3A_362] : memref<2x128x128xf32, #tpu.memory_space<vmem>> -> memref<1x128x128xf32, #tpu.memory_space<vmem>>
      %dma_wait3A_364 = tpu.memref_squeeze %dma_wait3A_363 : memref<1x128x128xf32, #tpu.memory_space<vmem>> -> memref<128x128xf32, #tpu.memory_space<vmem>>
      %dma_wait3A_365 = arith.constant 0 : i32
      %dma_wait3A_366 = tpu.memref_slice %arg10[%add3A_71, %dma_wait3A_365] : memref<10240x128xf32, #tpu.memory_space<vmem_shared>> -> memref<128x128xf32, #tpu.memory_space<vmem_shared>>
      %dma_wait3A_367 = arith.constant 0 : i32
      %dma_wait3A_368 = tpu.memref_slice %arg10[%add3A_71, %dma_wait3A_367] : memref<10240x128xf32, #tpu.memory_space<vmem_shared>> -> memref<128x128xf32, #tpu.memory_space<vmem_shared>>
      %dma_wait3A_369 = arith.constant 0 : i32
      %dma_wait3A_370 = arith.constant 0 : i32
      %dma_wait3A_371 = tpu.memref_slice %arg7[%run_scoped3A_72, %dma_wait3A_369, %dma_wait3A_370] : memref<2x128x128xf32, #tpu.memory_space<vmem>> -> memref<1x128x128xf32, #tpu.memory_space<vmem>>
      %dma_wait3A_372 = tpu.memref_squeeze %dma_wait3A_371 : memref<1x128x128xf32, #tpu.memory_space<vmem>> -> memref<128x128xf32, #tpu.memory_space<vmem>>
      tpu.wait_dma2 semaphore(%run_scoped3A_348 : memref<!tpu.dma_semaphore, #tpu.memory_space<semaphore_mem>>) src(%dma_wait3A_372 : memref<128x128xf32, #tpu.memory_space<vmem>>) dst(%dma_wait3A_368 : memref<128x128xf32, #tpu.memory_space<vmem_shared>>)
      tpu.yield
    }) : () -> ()
    %mul3A_73 = arith.constant 640 : i32
    %mul3A_74 = arith.muli %arg1, %mul3A_73 : i32
    %add3A_75 = arith.constant 256 : i32
    %add3A_76 = arith.addi %mul3A_74, %add3A_75 : i32
    %run_scoped3A_77 = arith.constant 0 : i32
    "tpu.region"() ({
      %run_scoped3A_348 = tpu.sem_alloc : memref<!tpu.dma_semaphore, #tpu.memory_space<semaphore_mem>>
      %dma_start3A_349 = arith.constant 0 : i32
      %dma_start3A_350 = arith.constant 0 : i32
      %dma_start3A_351 = tpu.memref_slice %arg7[%run_scoped3A_77, %dma_start3A_349, %dma_start3A_350] : memref<2x128x128xf32, #tpu.memory_space<vmem>> -> memref<1x128x128xf32, #tpu.memory_space<vmem>>
      %dma_start3A_352 = tpu.memref_squeeze %dma_start3A_351 : memref<1x128x128xf32, #tpu.memory_space<vmem>> -> memref<128x128xf32, #tpu.memory_space<vmem>>
      %dma_start3A_353 = arith.constant 0 : i32
      %dma_start3A_354 = tpu.memref_slice %arg10[%add3A_76, %dma_start3A_353] : memref<10240x128xf32, #tpu.memory_space<vmem_shared>> -> memref<128x128xf32, #tpu.memory_space<vmem_shared>>
      %dma_start3A_355 = arith.constant 0 : i32
      %dma_start3A_356 = tpu.memref_slice %arg10[%add3A_76, %dma_start3A_355] : memref<10240x128xf32, #tpu.memory_space<vmem_shared>> -> memref<128x128xf32, #tpu.memory_space<vmem_shared>>
      %dma_start3A_357 = arith.constant 0 : i32
      %dma_start3A_358 = arith.constant 0 : i32
      %dma_start3A_359 = tpu.memref_slice %arg7[%run_scoped3A_77, %dma_start3A_357, %dma_start3A_358] : memref<2x128x128xf32, #tpu.memory_space<vmem>> -> memref<1x128x128xf32, #tpu.memory_space<vmem>>
      %dma_start3A_360 = tpu.memref_squeeze %dma_start3A_359 : memref<1x128x128xf32, #tpu.memory_space<vmem>> -> memref<128x128xf32, #tpu.memory_space<vmem>>
      tpu.enqueue_dma source(%dma_start3A_360 : memref<128x128xf32, #tpu.memory_space<vmem>>) target(%dma_start3A_356 : memref<128x128xf32, #tpu.memory_space<vmem_shared>>) target_semaphore(%run_scoped3A_348 : memref<!tpu.dma_semaphore, #tpu.memory_space<semaphore_mem>>)
      %dma_wait3A_361 = arith.constant 0 : i32
      %dma_wait3A_362 = arith.constant 0 : i32
      %dma_wait3A_363 = tpu.memref_slice %arg7[%run_scoped3A_77, %dma_wait3A_361, %dma_wait3A_362] : memref<2x128x128xf32, #tpu.memory_space<vmem>> -> memref<1x128x128xf32, #tpu.memory_space<vmem>>
      %dma_wait3A_364 = tpu.memref_squeeze %dma_wait3A_363 : memref<1x128x128xf32, #tpu.memory_space<vmem>> -> memref<128x128xf32, #tpu.memory_space<vmem>>
      %dma_wait3A_365 = arith.constant 0 : i32
      %dma_wait3A_366 = tpu.memref_slice %arg10[%add3A_76, %dma_wait3A_365] : memref<10240x128xf32, #tpu.memory_space<vmem_shared>> -> memref<128x128xf32, #tpu.memory_space<vmem_shared>>
      %dma_wait3A_367 = arith.constant 0 : i32
      %dma_wait3A_368 = tpu.memref_slice %arg10[%add3A_76, %dma_wait3A_367] : memref<10240x128xf32, #tpu.memory_space<vmem_shared>> -> memref<128x128xf32, #tpu.memory_space<vmem_shared>>
      %dma_wait3A_369 = arith.constant 0 : i32
      %dma_wait3A_370 = arith.constant 0 : i32
      %dma_wait3A_371 = tpu.memref_slice %arg7[%run_scoped3A_77, %dma_wait3A_369, %dma_wait3A_370] : memref<2x128x128xf32, #tpu.memory_space<vmem>> -> memref<1x128x128xf32, #tpu.memory_space<vmem>>
      %dma_wait3A_372 = tpu.memref_squeeze %dma_wait3A_371 : memref<1x128x128xf32, #tpu.memory_space<vmem>> -> memref<128x128xf32, #tpu.memory_space<vmem>>
      tpu.wait_dma2 semaphore(%run_scoped3A_348 : memref<!tpu.dma_semaphore, #tpu.memory_space<semaphore_mem>>) src(%dma_wait3A_372 : memref<128x128xf32, #tpu.memory_space<vmem>>) dst(%dma_wait3A_368 : memref<128x128xf32, #tpu.memory_space<vmem_shared>>)
      tpu.yield
    }) : () -> ()
    %mul3A_78 = arith.constant 640 : i32
    %mul3A_79 = arith.muli %arg1, %mul3A_78 : i32
    %add3A_80 = arith.constant 384 : i32
    %add3A_81 = arith.addi %mul3A_79, %add3A_80 : i32
    %run_scoped3A_82 = arith.constant 0 : i32
    "tpu.region"() ({
      %run_scoped3A_348 = tpu.sem_alloc : memref<!tpu.dma_semaphore, #tpu.memory_space<semaphore_mem>>
      %dma_start3A_349 = arith.constant 0 : i32
      %dma_start3A_350 = arith.constant 0 : i32
      %dma_start3A_351 = tpu.memref_slice %arg7[%run_scoped3A_82, %dma_start3A_349, %dma_start3A_350] : memref<2x128x128xf32, #tpu.memory_space<vmem>> -> memref<1x128x128xf32, #tpu.memory_space<vmem>>
      %dma_start3A_352 = tpu.memref_squeeze %dma_start3A_351 : memref<1x128x128xf32, #tpu.memory_space<vmem>> -> memref<128x128xf32, #tpu.memory_space<vmem>>
      %dma_start3A_353 = arith.constant 0 : i32
      %dma_start3A_354 = tpu.memref_slice %arg10[%add3A_81, %dma_start3A_353] : memref<10240x128xf32, #tpu.memory_space<vmem_shared>> -> memref<128x128xf32, #tpu.memory_space<vmem_shared>>
      %dma_start3A_355 = arith.constant 0 : i32
      %dma_start3A_356 = tpu.memref_slice %arg10[%add3A_81, %dma_start3A_355] : memref<10240x128xf32, #tpu.memory_space<vmem_shared>> -> memref<128x128xf32, #tpu.memory_space<vmem_shared>>
      %dma_start3A_357 = arith.constant 0 : i32
      %dma_start3A_358 = arith.constant 0 : i32
      %dma_start3A_359 = tpu.memref_slice %arg7[%run_scoped3A_82, %dma_start3A_357, %dma_start3A_358] : memref<2x128x128xf32, #tpu.memory_space<vmem>> -> memref<1x128x128xf32, #tpu.memory_space<vmem>>
      %dma_start3A_360 = tpu.memref_squeeze %dma_start3A_359 : memref<1x128x128xf32, #tpu.memory_space<vmem>> -> memref<128x128xf32, #tpu.memory_space<vmem>>
      tpu.enqueue_dma source(%dma_start3A_360 : memref<128x128xf32, #tpu.memory_space<vmem>>) target(%dma_start3A_356 : memref<128x128xf32, #tpu.memory_space<vmem_shared>>) target_semaphore(%run_scoped3A_348 : memref<!tpu.dma_semaphore, #tpu.memory_space<semaphore_mem>>)
      %dma_wait3A_361 = arith.constant 0 : i32
      %dma_wait3A_362 = arith.constant 0 : i32
      %dma_wait3A_363 = tpu.memref_slice %arg7[%run_scoped3A_82, %dma_wait3A_361, %dma_wait3A_362] : memref<2x128x128xf32, #tpu.memory_space<vmem>> -> memref<1x128x128xf32, #tpu.memory_space<vmem>>
      %dma_wait3A_364 = tpu.memref_squeeze %dma_wait3A_363 : memref<1x128x128xf32, #tpu.memory_space<vmem>> -> memref<128x128xf32, #tpu.memory_space<vmem>>
      %dma_wait3A_365 = arith.constant 0 : i32
      %dma_wait3A_366 = tpu.memref_slice %arg10[%add3A_81, %dma_wait3A_365] : memref<10240x128xf32, #tpu.memory_space<vmem_shared>> -> memref<128x128xf32, #tpu.memory_space<vmem_shared>>
      %dma_wait3A_367 = arith.constant 0 : i32
      %dma_wait3A_368 = tpu.memref_slice %arg10[%add3A_81, %dma_wait3A_367] : memref<10240x128xf32, #tpu.memory_space<vmem_shared>> -> memref<128x128xf32, #tpu.memory_space<vmem_shared>>
      %dma_wait3A_369 = arith.constant 0 : i32
      %dma_wait3A_370 = arith.constant 0 : i32
      %dma_wait3A_371 = tpu.memref_slice %arg7[%run_scoped3A_82, %dma_wait3A_369, %dma_wait3A_370] : memref<2x128x128xf32, #tpu.memory_space<vmem>> -> memref<1x128x128xf32, #tpu.memory_space<vmem>>
      %dma_wait3A_372 = tpu.memref_squeeze %dma_wait3A_371 : memref<1x128x128xf32, #tpu.memory_space<vmem>> -> memref<128x128xf32, #tpu.memory_space<vmem>>
      tpu.wait_dma2 semaphore(%run_scoped3A_348 : memref<!tpu.dma_semaphore, #tpu.memory_space<semaphore_mem>>) src(%dma_wait3A_372 : memref<128x128xf32, #tpu.memory_space<vmem>>) dst(%dma_wait3A_368 : memref<128x128xf32, #tpu.memory_space<vmem_shared>>)
      tpu.yield
    }) : () -> ()
    %mul3A_83 = arith.constant 640 : i32
    %mul3A_84 = arith.muli %arg1, %mul3A_83 : i32
    %add3A_85 = arith.constant 512 : i32
    %add3A_86 = arith.addi %mul3A_84, %add3A_85 : i32
    %run_scoped3A_87 = arith.constant 0 : i32
    "tpu.region"() ({
      %run_scoped3A_348 = tpu.sem_alloc : memref<!tpu.dma_semaphore, #tpu.memory_space<semaphore_mem>>
      %dma_start3A_349 = arith.constant 0 : i32
      %dma_start3A_350 = arith.constant 0 : i32
      %dma_start3A_351 = tpu.memref_slice %arg7[%run_scoped3A_87, %dma_start3A_349, %dma_start3A_350] : memref<2x128x128xf32, #tpu.memory_space<vmem>> -> memref<1x128x128xf32, #tpu.memory_space<vmem>>
      %dma_start3A_352 = tpu.memref_squeeze %dma_start3A_351 : memref<1x128x128xf32, #tpu.memory_space<vmem>> -> memref<128x128xf32, #tpu.memory_space<vmem>>
      %dma_start3A_353 = arith.constant 0 : i32
      %dma_start3A_354 = tpu.memref_slice %arg10[%add3A_86, %dma_start3A_353] : memref<10240x128xf32, #tpu.memory_space<vmem_shared>> -> memref<128x128xf32, #tpu.memory_space<vmem_shared>>
      %dma_start3A_355 = arith.constant 0 : i32
      %dma_start3A_356 = tpu.memref_slice %arg10[%add3A_86, %dma_start3A_355] : memref<10240x128xf32, #tpu.memory_space<vmem_shared>> -> memref<128x128xf32, #tpu.memory_space<vmem_shared>>
      %dma_start3A_357 = arith.constant 0 : i32
      %dma_start3A_358 = arith.constant 0 : i32
      %dma_start3A_359 = tpu.memref_slice %arg7[%run_scoped3A_87, %dma_start3A_357, %dma_start3A_358] : memref<2x128x128xf32, #tpu.memory_space<vmem>> -> memref<1x128x128xf32, #tpu.memory_space<vmem>>
      %dma_start3A_360 = tpu.memref_squeeze %dma_start3A_359 : memref<1x128x128xf32, #tpu.memory_space<vmem>> -> memref<128x128xf32, #tpu.memory_space<vmem>>
      tpu.enqueue_dma source(%dma_start3A_360 : memref<128x128xf32, #tpu.memory_space<vmem>>) target(%dma_start3A_356 : memref<128x128xf32, #tpu.memory_space<vmem_shared>>) target_semaphore(%run_scoped3A_348 : memref<!tpu.dma_semaphore, #tpu.memory_space<semaphore_mem>>)
      %dma_wait3A_361 = arith.constant 0 : i32
      %dma_wait3A_362 = arith.constant 0 : i32
      %dma_wait3A_363 = tpu.memref_slice %arg7[%run_scoped3A_87, %dma_wait3A_361, %dma_wait3A_362] : memref<2x128x128xf32, #tpu.memory_space<vmem>> -> memref<1x128x128xf32, #tpu.memory_space<vmem>>
      %dma_wait3A_364 = tpu.memref_squeeze %dma_wait3A_363 : memref<1x128x128xf32, #tpu.memory_space<vmem>> -> memref<128x128xf32, #tpu.memory_space<vmem>>
      %dma_wait3A_365 = arith.constant 0 : i32
      %dma_wait3A_366 = tpu.memref_slice %arg10[%add3A_86, %dma_wait3A_365] : memref<10240x128xf32, #tpu.memory_space<vmem_shared>> -> memref<128x128xf32, #tpu.memory_space<vmem_shared>>
      %dma_wait3A_367 = arith.constant 0 : i32
      %dma_wait3A_368 = tpu.memref_slice %arg10[%add3A_86, %dma_wait3A_367] : memref<10240x128xf32, #tpu.memory_space<vmem_shared>> -> memref<128x128xf32, #tpu.memory_space<vmem_shared>>
      %dma_wait3A_369 = arith.constant 0 : i32
      %dma_wait3A_370 = arith.constant 0 : i32
      %dma_wait3A_371 = tpu.memref_slice %arg7[%run_scoped3A_87, %dma_wait3A_369, %dma_wait3A_370] : memref<2x128x128xf32, #tpu.memory_space<vmem>> -> memref<1x128x128xf32, #tpu.memory_space<vmem>>
      %dma_wait3A_372 = tpu.memref_squeeze %dma_wait3A_371 : memref<1x128x128xf32, #tpu.memory_space<vmem>> -> memref<128x128xf32, #tpu.memory_space<vmem>>
      tpu.wait_dma2 semaphore(%run_scoped3A_348 : memref<!tpu.dma_semaphore, #tpu.memory_space<semaphore_mem>>) src(%dma_wait3A_372 : memref<128x128xf32, #tpu.memory_space<vmem>>) dst(%dma_wait3A_368 : memref<128x128xf32, #tpu.memory_space<vmem_shared>>)
      tpu.yield
    }) : () -> ()
    %mul3A_88 = arith.constant 640 : i32
    %mul3A_89 = arith.muli %arg1, %mul3A_88 : i32
    "tpu.region"() ({
      %run_scoped3A_348 = tpu.sem_alloc : memref<!tpu.dma_semaphore, #tpu.memory_space<semaphore_mem>>
      %dma_start3A_349 = tpu.memref_slice %arg11[%mul3A_89] : memref<10240xf32, #tpu.memory_space<vmem_shared>> -> memref<640xf32, #tpu.memory_space<vmem_shared>>
      %dma_start3A_350 = tpu.memref_slice %arg11[%mul3A_89] : memref<10240xf32, #tpu.memory_space<vmem_shared>> -> memref<640xf32, #tpu.memory_space<vmem_shared>>
      tpu.enqueue_dma source(%arg9 : memref<640xf32, #tpu.memory_space<vmem>>) target(%dma_start3A_350 : memref<640xf32, #tpu.memory_space<vmem_shared>>) target_semaphore(%run_scoped3A_348 : memref<!tpu.dma_semaphore, #tpu.memory_space<semaphore_mem>>)
      %dma_wait3A_351 = tpu.memref_slice %arg11[%mul3A_89] : memref<10240xf32, #tpu.memory_space<vmem_shared>> -> memref<640xf32, #tpu.memory_space<vmem_shared>>
      %dma_wait3A_352 = tpu.memref_slice %arg11[%mul3A_89] : memref<10240xf32, #tpu.memory_space<vmem_shared>> -> memref<640xf32, #tpu.memory_space<vmem_shared>>
      tpu.wait_dma2 semaphore(%run_scoped3A_348 : memref<!tpu.dma_semaphore, #tpu.memory_space<semaphore_mem>>) src(%arg9 : memref<640xf32, #tpu.memory_space<vmem>>) dst(%dma_wait3A_352 : memref<640xf32, #tpu.memory_space<vmem_shared>>)
      tpu.yield
    }) : () -> ()
    %barrier3A = arith.constant 0 : index
    tpu.barrier barrier_id(%barrier3A)
    %min3A = arith.constant 0 : i32
    %min3A_90 = arith.constant 80 : i32
    %min3A_91 = arith.minsi %min3A, %min3A_90 : i32
    %mul3A_92 = arith.constant 32 : i32
    %mul3A_93 = arith.muli %mul3A_92, %min3A_91 : i32
    %add3A_94 = arith.addi %add3A, %mul3A_93 : i32
    %min3A_95 = arith.constant 2499 : i32
    %min3A_96 = arith.minsi %add3A_94, %min3A_95 : i32
    %mul3A_97 = arith.constant 128 : i32
    %mul3A_98 = arith.muli %min3A_96, %mul3A_97 : i32
    %dma_start3A = arith.constant 0 : i32
    %dma_start3A_99 = arith.constant 0 : i32
    %dma_start3A_100 = arith.constant 0 : i32
    %dma_start3A_101 = tpu.memref_slice %arg6[%dma_start3A, %dma_start3A_99, %dma_start3A_100] : memref<4x2x128xi32, #tpu.memory_space<vmem>> -> memref<1x2x128xi32, #tpu.memory_space<vmem>>
    %dma_start3A_102 = tpu.memref_squeeze %dma_start3A_101 : memref<1x2x128xi32, #tpu.memory_space<vmem>> -> memref<2x128xi32, #tpu.memory_space<vmem>>
    %dma_start3A_103 = arith.constant 0 : i32
    %dma_start3A_104 = tpu.memref_slice %arg3[%dma_start3A_103, %mul3A_98] : memref<2x320000xi32, #tpu.memory_space<hbm>> -> memref<2x128xi32, #tpu.memory_space<hbm>>
    %dma_start3A_105 = arith.constant 0 : i32
    %dma_start3A_106 = arith.constant 0 : i32
    %dma_start3A_107 = tpu.memref_slice %arg6[%dma_start3A, %dma_start3A_105, %dma_start3A_106] : memref<4x2x128xi32, #tpu.memory_space<vmem>> -> memref<1x2x128xi32, #tpu.memory_space<vmem>>
    %dma_start3A_108 = tpu.memref_squeeze %dma_start3A_107 : memref<1x2x128xi32, #tpu.memory_space<vmem>> -> memref<2x128xi32, #tpu.memory_space<vmem>>
    %dma_start3A_109 = arith.constant 0 : i32
    %dma_start3A_110 = tpu.memref_slice %arg3[%dma_start3A_109, %mul3A_98] : memref<2x320000xi32, #tpu.memory_space<hbm>> -> memref<2x128xi32, #tpu.memory_space<hbm>>
    tpu.enqueue_dma source(%dma_start3A_110 : memref<2x128xi32, #tpu.memory_space<hbm>>) target(%dma_start3A_108 : memref<2x128xi32, #tpu.memory_space<vmem>>) target_semaphore(%arg18 : memref<!tpu.dma_semaphore, #tpu.memory_space<semaphore_mem>>)
    %min3A_111 = arith.constant 1 : i32
    %min3A_112 = arith.constant 80 : i32
    %min3A_113 = arith.minsi %min3A_111, %min3A_112 : i32
    %mul3A_114 = arith.constant 32 : i32
    %mul3A_115 = arith.muli %mul3A_114, %min3A_113 : i32
    %add3A_116 = arith.addi %add3A, %mul3A_115 : i32
    %min3A_117 = arith.constant 2499 : i32
    %min3A_118 = arith.minsi %add3A_116, %min3A_117 : i32
    %mul3A_119 = arith.constant 128 : i32
    %mul3A_120 = arith.muli %min3A_118, %mul3A_119 : i32
    %dma_start3A_121 = arith.constant 1 : i32
    %dma_start3A_122 = arith.constant 0 : i32
    %dma_start3A_123 = arith.constant 0 : i32
    %dma_start3A_124 = tpu.memref_slice %arg6[%dma_start3A_121, %dma_start3A_122, %dma_start3A_123] : memref<4x2x128xi32, #tpu.memory_space<vmem>> -> memref<1x2x128xi32, #tpu.memory_space<vmem>>
    %dma_start3A_125 = tpu.memref_squeeze %dma_start3A_124 : memref<1x2x128xi32, #tpu.memory_space<vmem>> -> memref<2x128xi32, #tpu.memory_space<vmem>>
    %dma_start3A_126 = arith.constant 0 : i32
    %dma_start3A_127 = tpu.memref_slice %arg3[%dma_start3A_126, %mul3A_120] : memref<2x320000xi32, #tpu.memory_space<hbm>> -> memref<2x128xi32, #tpu.memory_space<hbm>>
    %dma_start3A_128 = arith.constant 0 : i32
    %dma_start3A_129 = arith.constant 0 : i32
    %dma_start3A_130 = tpu.memref_slice %arg6[%dma_start3A_121, %dma_start3A_128, %dma_start3A_129] : memref<4x2x128xi32, #tpu.memory_space<vmem>> -> memref<1x2x128xi32, #tpu.memory_space<vmem>>
    %dma_start3A_131 = tpu.memref_squeeze %dma_start3A_130 : memref<1x2x128xi32, #tpu.memory_space<vmem>> -> memref<2x128xi32, #tpu.memory_space<vmem>>
    %dma_start3A_132 = arith.constant 0 : i32
    %dma_start3A_133 = tpu.memref_slice %arg3[%dma_start3A_132, %mul3A_120] : memref<2x320000xi32, #tpu.memory_space<hbm>> -> memref<2x128xi32, #tpu.memory_space<hbm>>
    tpu.enqueue_dma source(%dma_start3A_133 : memref<2x128xi32, #tpu.memory_space<hbm>>) target(%dma_start3A_131 : memref<2x128xi32, #tpu.memory_space<vmem>>) target_semaphore(%arg19 : memref<!tpu.dma_semaphore, #tpu.memory_space<semaphore_mem>>)
    %min3A_134 = arith.constant 2 : i32
    %min3A_135 = arith.constant 80 : i32
    %min3A_136 = arith.minsi %min3A_134, %min3A_135 : i32
    %mul3A_137 = arith.constant 32 : i32
    %mul3A_138 = arith.muli %mul3A_137, %min3A_136 : i32
    %add3A_139 = arith.addi %add3A, %mul3A_138 : i32
    %min3A_140 = arith.constant 2499 : i32
    %min3A_141 = arith.minsi %add3A_139, %min3A_140 : i32
    %mul3A_142 = arith.constant 128 : i32
    %mul3A_143 = arith.muli %min3A_141, %mul3A_142 : i32
    %dma_start3A_144 = arith.constant 2 : i32
    %dma_start3A_145 = arith.constant 0 : i32
    %dma_start3A_146 = arith.constant 0 : i32
    %dma_start3A_147 = tpu.memref_slice %arg6[%dma_start3A_144, %dma_start3A_145, %dma_start3A_146] : memref<4x2x128xi32, #tpu.memory_space<vmem>> -> memref<1x2x128xi32, #tpu.memory_space<vmem>>
    %dma_start3A_148 = tpu.memref_squeeze %dma_start3A_147 : memref<1x2x128xi32, #tpu.memory_space<vmem>> -> memref<2x128xi32, #tpu.memory_space<vmem>>
    %dma_start3A_149 = arith.constant 0 : i32
    %dma_start3A_150 = tpu.memref_slice %arg3[%dma_start3A_149, %mul3A_143] : memref<2x320000xi32, #tpu.memory_space<hbm>> -> memref<2x128xi32, #tpu.memory_space<hbm>>
    %dma_start3A_151 = arith.constant 0 : i32
    %dma_start3A_152 = arith.constant 0 : i32
    %dma_start3A_153 = tpu.memref_slice %arg6[%dma_start3A_144, %dma_start3A_151, %dma_start3A_152] : memref<4x2x128xi32, #tpu.memory_space<vmem>> -> memref<1x2x128xi32, #tpu.memory_space<vmem>>
    %dma_start3A_154 = tpu.memref_squeeze %dma_start3A_153 : memref<1x2x128xi32, #tpu.memory_space<vmem>> -> memref<2x128xi32, #tpu.memory_space<vmem>>
    %dma_start3A_155 = arith.constant 0 : i32
    %dma_start3A_156 = tpu.memref_slice %arg3[%dma_start3A_155, %mul3A_143] : memref<2x320000xi32, #tpu.memory_space<hbm>> -> memref<2x128xi32, #tpu.memory_space<hbm>>
    tpu.enqueue_dma source(%dma_start3A_156 : memref<2x128xi32, #tpu.memory_space<hbm>>) target(%dma_start3A_154 : memref<2x128xi32, #tpu.memory_space<vmem>>) target_semaphore(%arg20 : memref<!tpu.dma_semaphore, #tpu.memory_space<semaphore_mem>>)
    %min3A_157 = arith.constant 3 : i32
    %min3A_158 = arith.constant 80 : i32
    %min3A_159 = arith.minsi %min3A_157, %min3A_158 : i32
    %mul3A_160 = arith.constant 32 : i32
    %mul3A_161 = arith.muli %mul3A_160, %min3A_159 : i32
    %add3A_162 = arith.addi %add3A, %mul3A_161 : i32
    %min3A_163 = arith.constant 2499 : i32
    %min3A_164 = arith.minsi %add3A_162, %min3A_163 : i32
    %mul3A_165 = arith.constant 128 : i32
    %mul3A_166 = arith.muli %min3A_164, %mul3A_165 : i32
    %dma_start3A_167 = arith.constant 3 : i32
    %dma_start3A_168 = arith.constant 0 : i32
    %dma_start3A_169 = arith.constant 0 : i32
    %dma_start3A_170 = tpu.memref_slice %arg6[%dma_start3A_167, %dma_start3A_168, %dma_start3A_169] : memref<4x2x128xi32, #tpu.memory_space<vmem>> -> memref<1x2x128xi32, #tpu.memory_space<vmem>>
    %dma_start3A_171 = tpu.memref_squeeze %dma_start3A_170 : memref<1x2x128xi32, #tpu.memory_space<vmem>> -> memref<2x128xi32, #tpu.memory_space<vmem>>
    %dma_start3A_172 = arith.constant 0 : i32
    %dma_start3A_173 = tpu.memref_slice %arg3[%dma_start3A_172, %mul3A_166] : memref<2x320000xi32, #tpu.memory_space<hbm>> -> memref<2x128xi32, #tpu.memory_space<hbm>>
    %dma_start3A_174 = arith.constant 0 : i32
    %dma_start3A_175 = arith.constant 0 : i32
    %dma_start3A_176 = tpu.memref_slice %arg6[%dma_start3A_167, %dma_start3A_174, %dma_start3A_175] : memref<4x2x128xi32, #tpu.memory_space<vmem>> -> memref<1x2x128xi32, #tpu.memory_space<vmem>>
    %dma_start3A_177 = tpu.memref_squeeze %dma_start3A_176 : memref<1x2x128xi32, #tpu.memory_space<vmem>> -> memref<2x128xi32, #tpu.memory_space<vmem>>
    %dma_start3A_178 = arith.constant 0 : i32
    %dma_start3A_179 = tpu.memref_slice %arg3[%dma_start3A_178, %mul3A_166] : memref<2x320000xi32, #tpu.memory_space<hbm>> -> memref<2x128xi32, #tpu.memory_space<hbm>>
    tpu.enqueue_dma source(%dma_start3A_179 : memref<2x128xi32, #tpu.memory_space<hbm>>) target(%dma_start3A_177 : memref<2x128xi32, #tpu.memory_space<vmem>>) target_semaphore(%arg21 : memref<!tpu.dma_semaphore, #tpu.memory_space<semaphore_mem>>)
    %min3A_180 = arith.constant 0 : i32
    %min3A_181 = arith.constant 80 : i32
    %min3A_182 = arith.minsi %min3A_180, %min3A_181 : i32
    %mul3A_183 = arith.constant 32 : i32
    %mul3A_184 = arith.muli %mul3A_183, %min3A_182 : i32
    %add3A_185 = arith.addi %add3A, %mul3A_184 : i32
    %min3A_186 = arith.constant 2499 : i32
    %min3A_187 = arith.minsi %add3A_185, %min3A_186 : i32
    %mul3A_188 = arith.constant 128 : i32
    %mul3A_189 = arith.muli %min3A_187, %mul3A_188 : i32
    %dma_wait3A = arith.constant 0 : i32
    %dma_wait3A_190 = arith.constant 0 : i32
    %dma_wait3A_191 = arith.constant 0 : i32
    %dma_wait3A_192 = tpu.memref_slice %arg6[%dma_wait3A, %dma_wait3A_190, %dma_wait3A_191] : memref<4x2x128xi32, #tpu.memory_space<vmem>> -> memref<1x2x128xi32, #tpu.memory_space<vmem>>
    %dma_wait3A_193 = tpu.memref_squeeze %dma_wait3A_192 : memref<1x2x128xi32, #tpu.memory_space<vmem>> -> memref<2x128xi32, #tpu.memory_space<vmem>>
    %dma_wait3A_194 = arith.constant 0 : i32
    %dma_wait3A_195 = tpu.memref_slice %arg3[%dma_wait3A_194, %mul3A_189] : memref<2x320000xi32, #tpu.memory_space<hbm>> -> memref<2x128xi32, #tpu.memory_space<hbm>>
    %dma_wait3A_196 = arith.constant 0 : i32
    %dma_wait3A_197 = arith.constant 0 : i32
    %dma_wait3A_198 = tpu.memref_slice %arg6[%dma_wait3A, %dma_wait3A_196, %dma_wait3A_197] : memref<4x2x128xi32, #tpu.memory_space<vmem>> -> memref<1x2x128xi32, #tpu.memory_space<vmem>>
    %dma_wait3A_199 = tpu.memref_squeeze %dma_wait3A_198 : memref<1x2x128xi32, #tpu.memory_space<vmem>> -> memref<2x128xi32, #tpu.memory_space<vmem>>
    %dma_wait3A_200 = arith.constant 0 : i32
    %dma_wait3A_201 = tpu.memref_slice %arg3[%dma_wait3A_200, %mul3A_189] : memref<2x320000xi32, #tpu.memory_space<hbm>> -> memref<2x128xi32, #tpu.memory_space<hbm>>
    tpu.wait_dma2 semaphore(%arg18 : memref<!tpu.dma_semaphore, #tpu.memory_space<semaphore_mem>>) src(%dma_wait3A_201 : memref<2x128xi32, #tpu.memory_space<hbm>>) dst(%dma_wait3A_199 : memref<2x128xi32, #tpu.memory_space<vmem>>)
    %dma_start3A_202 = arith.constant 0 : i32
    %dma_start3A_203 = arith.constant 0 : i32
    %dma_start3A_204 = arith.constant 0 : i32
    %dma_start3A_205 = arith.constant 0 : i32
    %dma_start3A_206 = arith.constant 0 : i32
    %dma_start3A_207 = tpu.memref_slice %arg7[%dma_start3A_204, %dma_start3A_205, %dma_start3A_206] : memref<2x128x128xf32, #tpu.memory_space<vmem>> -> memref<1x128x128xf32, #tpu.memory_space<vmem>>
    %dma_start3A_208 = tpu.memref_squeeze %dma_start3A_207 : memref<1x128x128xf32, #tpu.memory_space<vmem>> -> memref<128x128xf32, #tpu.memory_space<vmem>>
    %dma_start3A_209 = arith.constant 0 : i32
    %dma_start3A_210 = tpu.memref_slice %arg6[%dma_start3A_202, %dma_start3A_203, %dma_start3A_209] : memref<4x2x128xi32, #tpu.memory_space<vmem>> -> memref<1x1x128xi32, #tpu.memory_space<vmem>>
    %dma_start3A_211 = tpu.memref_squeeze %dma_start3A_210 : memref<1x1x128xi32, #tpu.memory_space<vmem>> -> memref<128xi32, #tpu.memory_space<vmem>>
    %dma_start3A_212 = arith.constant 0 : i32
    %dma_start3A_213 = arith.constant 0 : i32
    %dma_start3A_214 = tpu.memref_slice %arg2[%dma_start3A_212, %dma_start3A_213] : memref<10000x128xf32, #tpu.memory_space<hbm>> -> memref<10000x128xf32, #tpu.memory_space<hbm>>
    tpu.enqueue_indirect_dma source(%dma_start3A_214 : memref<10000x128xf32, #tpu.memory_space<hbm>>) target(%dma_start3A_208 : memref<128x128xf32, #tpu.memory_space<vmem>>) offsets(%dma_start3A_211 : memref<128xi32, #tpu.memory_space<vmem>>) semaphore(%arg12 : memref<!tpu.dma_semaphore, #tpu.memory_space<semaphore_mem>>)
    %min3A_215 = arith.constant 1 : i32
    %min3A_216 = arith.constant 80 : i32
    %min3A_217 = arith.minsi %min3A_215, %min3A_216 : i32
    %mul3A_218 = arith.constant 32 : i32
    %mul3A_219 = arith.muli %mul3A_218, %min3A_217 : i32
    %add3A_220 = arith.addi %add3A, %mul3A_219 : i32
    %min3A_221 = arith.constant 2499 : i32
    %min3A_222 = arith.minsi %add3A_220, %min3A_221 : i32
    %mul3A_223 = arith.constant 128 : i32
    %mul3A_224 = arith.muli %min3A_222, %mul3A_223 : i32
    %dma_wait3A_225 = arith.constant 1 : i32
    %dma_wait3A_226 = arith.constant 0 : i32
    %dma_wait3A_227 = arith.constant 0 : i32
    %dma_wait3A_228 = tpu.memref_slice %arg6[%dma_wait3A_225, %dma_wait3A_226, %dma_wait3A_227] : memref<4x2x128xi32, #tpu.memory_space<vmem>> -> memref<1x2x128xi32, #tpu.memory_space<vmem>>
    %dma_wait3A_229 = tpu.memref_squeeze %dma_wait3A_228 : memref<1x2x128xi32, #tpu.memory_space<vmem>> -> memref<2x128xi32, #tpu.memory_space<vmem>>
    %dma_wait3A_230 = arith.constant 0 : i32
    %dma_wait3A_231 = tpu.memref_slice %arg3[%dma_wait3A_230, %mul3A_224] : memref<2x320000xi32, #tpu.memory_space<hbm>> -> memref<2x128xi32, #tpu.memory_space<hbm>>
    %dma_wait3A_232 = arith.constant 0 : i32
    %dma_wait3A_233 = arith.constant 0 : i32
    %dma_wait3A_234 = tpu.memref_slice %arg6[%dma_wait3A_225, %dma_wait3A_232, %dma_wait3A_233] : memref<4x2x128xi32, #tpu.memory_space<vmem>> -> memref<1x2x128xi32, #tpu.memory_space<vmem>>
    %dma_wait3A_235 = tpu.memref_squeeze %dma_wait3A_234 : memref<1x2x128xi32, #tpu.memory_space<vmem>> -> memref<2x128xi32, #tpu.memory_space<vmem>>
    %dma_wait3A_236 = arith.constant 0 : i32
    %dma_wait3A_237 = tpu.memref_slice %arg3[%dma_wait3A_236, %mul3A_224] : memref<2x320000xi32, #tpu.memory_space<hbm>> -> memref<2x128xi32, #tpu.memory_space<hbm>>
    tpu.wait_dma2 semaphore(%arg19 : memref<!tpu.dma_semaphore, #tpu.memory_space<semaphore_mem>>) src(%dma_wait3A_237 : memref<2x128xi32, #tpu.memory_space<hbm>>) dst(%dma_wait3A_235 : memref<2x128xi32, #tpu.memory_space<vmem>>)
    %dma_start3A_238 = arith.constant 1 : i32
    %dma_start3A_239 = arith.constant 0 : i32
    %dma_start3A_240 = arith.constant 1 : i32
    %dma_start3A_241 = arith.constant 0 : i32
    %dma_start3A_242 = arith.constant 0 : i32
    %dma_start3A_243 = tpu.memref_slice %arg7[%dma_start3A_240, %dma_start3A_241, %dma_start3A_242] : memref<2x128x128xf32, #tpu.memory_space<vmem>> -> memref<1x128x128xf32, #tpu.memory_space<vmem>>
    %dma_start3A_244 = tpu.memref_squeeze %dma_start3A_243 : memref<1x128x128xf32, #tpu.memory_space<vmem>> -> memref<128x128xf32, #tpu.memory_space<vmem>>
    %dma_start3A_245 = arith.constant 0 : i32
    %dma_start3A_246 = tpu.memref_slice %arg6[%dma_start3A_238, %dma_start3A_239, %dma_start3A_245] : memref<4x2x128xi32, #tpu.memory_space<vmem>> -> memref<1x1x128xi32, #tpu.memory_space<vmem>>
    %dma_start3A_247 = tpu.memref_squeeze %dma_start3A_246 : memref<1x1x128xi32, #tpu.memory_space<vmem>> -> memref<128xi32, #tpu.memory_space<vmem>>
    %dma_start3A_248 = arith.constant 0 : i32
    %dma_start3A_249 = arith.constant 0 : i32
    %dma_start3A_250 = tpu.memref_slice %arg2[%dma_start3A_248, %dma_start3A_249] : memref<10000x128xf32, #tpu.memory_space<hbm>> -> memref<10000x128xf32, #tpu.memory_space<hbm>>
    tpu.enqueue_indirect_dma source(%dma_start3A_250 : memref<10000x128xf32, #tpu.memory_space<hbm>>) target(%dma_start3A_244 : memref<128x128xf32, #tpu.memory_space<vmem>>) offsets(%dma_start3A_247 : memref<128xi32, #tpu.memory_space<vmem>>) semaphore(%arg13 : memref<!tpu.dma_semaphore, #tpu.memory_space<semaphore_mem>>)
    %scan3A_251 = arith.constant 0 : i32
    %scan3A_252 = arith.constant 1 : i32
    %scan3A_253 = arith.constant 0 : i32
    %scan3A_254 = arith.constant 0 : i32
    %scan3A_255 = arith.constant 20 : i32
    %scan3A_256 = arith.addi %scan3A_254, %scan3A_255 : i32
    %scan3A_257 = arith.constant 1 : i32
    %scan3A_258 = scf.for %scan3A_348 = %scan3A_254 to %scan3A_256 step %scan3A_257 iter_args(%scan3A_349 = %scan3A_253) -> (i32)  : i32 {
      %mul3A_350 = arith.constant 4 : i32
      %mul3A_351 = arith.muli %mul3A_350, %scan3A_348 : i32
      %add3A_352 = arith.constant 0 : i32
      %add3A_353 = arith.addi %mul3A_351, %add3A_352 : i32
      %add3A_354 = arith.constant 1 : i32
      %add3A_355 = arith.addi %mul3A_351, %add3A_354 : i32
      %dma_wait3A_356 = arith.constant 0 : i32
      %dma_wait3A_357 = arith.constant 0 : i32
      %dma_wait3A_358 = arith.constant 0 : i32
      %dma_wait3A_359 = arith.constant 0 : i32
      %dma_wait3A_360 = tpu.memref_slice %arg7[%scan3A_251, %dma_wait3A_358, %dma_wait3A_359] : memref<2x128x128xf32, #tpu.memory_space<vmem>> -> memref<1x128x128xf32, #tpu.memory_space<vmem>>
      %dma_wait3A_361 = tpu.memref_squeeze %dma_wait3A_360 : memref<1x128x128xf32, #tpu.memory_space<vmem>> -> memref<128x128xf32, #tpu.memory_space<vmem>>
      %dma_wait3A_362 = arith.constant 0 : i32
      %dma_wait3A_363 = tpu.memref_slice %arg6[%dma_wait3A_356, %dma_wait3A_357, %dma_wait3A_362] : memref<4x2x128xi32, #tpu.memory_space<vmem>> -> memref<1x1x128xi32, #tpu.memory_space<vmem>>
      %dma_wait3A_364 = tpu.memref_squeeze %dma_wait3A_363 : memref<1x1x128xi32, #tpu.memory_space<vmem>> -> memref<128xi32, #tpu.memory_space<vmem>>
      %dma_wait3A_365 = arith.constant 0 : i32
      %dma_wait3A_366 = arith.constant 0 : i32
      %dma_wait3A_367 = tpu.memref_slice %arg2[%dma_wait3A_365, %dma_wait3A_366] : memref<10000x128xf32, #tpu.memory_space<hbm>> -> memref<10000x128xf32, #tpu.memory_space<hbm>>
      tpu.wait_indirect_dma semaphore(%arg12 : memref<!tpu.dma_semaphore, #tpu.memory_space<semaphore_mem>>) src(%dma_wait3A_367 : memref<10000x128xf32, #tpu.memory_space<hbm>>) dst(%dma_wait3A_361 : memref<128x128xf32, #tpu.memory_space<vmem>>)
      %lt3A_368 = arith.cmpi slt, %add3A_353, %add3A_4 : i32
      %convert_element_type3A_369 = arith.extui %lt3A_368 : i1 to i32
      %cond3A_370 = arith.constant 0 : i32
      %cond3A_371 = arith.cmpi ne, %convert_element_type3A_369, %cond3A_370 : i32
      scf.if %cond3A_371 {
        %dma_start3A_681 = arith.constant 0 : i32
        %dma_start3A_682 = arith.constant 1 : i32
        %dma_start3A_683 = arith.constant 0 : i32
        %dma_start3A_684 = arith.constant 0 : i32
        %dma_start3A_685 = tpu.memref_slice %arg7[%scan3A_251, %dma_start3A_683, %dma_start3A_684] : memref<2x128x128xf32, #tpu.memory_space<vmem>> -> memref<1x128x128xf32, #tpu.memory_space<vmem>>
        %dma_start3A_686 = tpu.memref_squeeze %dma_start3A_685 : memref<1x128x128xf32, #tpu.memory_space<vmem>> -> memref<128x128xf32, #tpu.memory_space<vmem>>
        %dma_start3A_687 = arith.constant 0 : i32
        %dma_start3A_688 = tpu.memref_slice %arg6[%dma_start3A_681, %dma_start3A_682, %dma_start3A_687] : memref<4x2x128xi32, #tpu.memory_space<vmem>> -> memref<1x1x128xi32, #tpu.memory_space<vmem>>
        %dma_start3A_689 = tpu.memref_squeeze %dma_start3A_688 : memref<1x1x128xi32, #tpu.memory_space<vmem>> -> memref<128xi32, #tpu.memory_space<vmem>>
        %dma_start3A_690 = arith.constant 0 : i32
        %dma_start3A_691 = arith.constant 0 : i32
        %dma_start3A_692 = tpu.memref_slice %arg10[%dma_start3A_690, %dma_start3A_691] : memref<10240x128xf32, #tpu.memory_space<vmem_shared>> -> memref<10240x128xf32, #tpu.memory_space<vmem_shared>>
        tpu.enqueue_indirect_dma source(%dma_start3A_686 : memref<128x128xf32, #tpu.memory_space<vmem>>) target(%dma_start3A_692 : memref<10240x128xf32, #tpu.memory_space<vmem_shared>>) offsets(%dma_start3A_689 : memref<128xi32, #tpu.memory_space<vmem>>) semaphore(%arg14 : memref<!tpu.dma_semaphore, #tpu.memory_space<semaphore_mem>>) {add = true}
        %dma_start3A_693 = arith.constant 0 : i32
        %dma_start3A_694 = arith.constant 1 : i32
        %dma_start3A_695 = arith.constant 0 : i32
        %dma_start3A_696 = tpu.memref_slice %arg6[%dma_start3A_693, %dma_start3A_694, %dma_start3A_695] : memref<4x2x128xi32, #tpu.memory_space<vmem>> -> memref<1x1x128xi32, #tpu.memory_space<vmem>>
        %dma_start3A_697 = tpu.memref_squeeze %dma_start3A_696 : memref<1x1x128xi32, #tpu.memory_space<vmem>> -> memref<128xi32, #tpu.memory_space<vmem>>
        %dma_start3A_698 = arith.constant 0 : i32
        %dma_start3A_699 = tpu.memref_slice %arg11[%dma_start3A_698] : memref<10240xf32, #tpu.memory_space<vmem_shared>> -> memref<10240xf32, #tpu.memory_space<vmem_shared>>
        tpu.enqueue_indirect_dma source(%arg8 : memref<128xf32, #tpu.memory_space<vmem>>) target(%dma_start3A_699 : memref<10240xf32, #tpu.memory_space<vmem_shared>>) offsets(%dma_start3A_697 : memref<128xi32, #tpu.memory_space<vmem>>) semaphore(%arg16 : memref<!tpu.dma_semaphore, #tpu.memory_space<semaphore_mem>>) {add = true}
      } else {
      }
      %dma_wait3A_372 = arith.constant 1 : i32
      %dma_wait3A_373 = arith.constant 0 : i32
      %dma_wait3A_374 = arith.constant 0 : i32
      %dma_wait3A_375 = arith.constant 0 : i32
      %dma_wait3A_376 = tpu.memref_slice %arg7[%scan3A_252, %dma_wait3A_374, %dma_wait3A_375] : memref<2x128x128xf32, #tpu.memory_space<vmem>> -> memref<1x128x128xf32, #tpu.memory_space<vmem>>
      %dma_wait3A_377 = tpu.memref_squeeze %dma_wait3A_376 : memref<1x128x128xf32, #tpu.memory_space<vmem>> -> memref<128x128xf32, #tpu.memory_space<vmem>>
      %dma_wait3A_378 = arith.constant 0 : i32
      %dma_wait3A_379 = tpu.memref_slice %arg6[%dma_wait3A_372, %dma_wait3A_373, %dma_wait3A_378] : memref<4x2x128xi32, #tpu.memory_space<vmem>> -> memref<1x1x128xi32, #tpu.memory_space<vmem>>
      %dma_wait3A_380 = tpu.memref_squeeze %dma_wait3A_379 : memref<1x1x128xi32, #tpu.memory_space<vmem>> -> memref<128xi32, #tpu.memory_space<vmem>>
      %dma_wait3A_381 = arith.constant 0 : i32
      %dma_wait3A_382 = arith.constant 0 : i32
      %dma_wait3A_383 = tpu.memref_slice %arg2[%dma_wait3A_381, %dma_wait3A_382] : memref<10000x128xf32, #tpu.memory_space<hbm>> -> memref<10000x128xf32, #tpu.memory_space<hbm>>
      tpu.wait_indirect_dma semaphore(%arg13 : memref<!tpu.dma_semaphore, #tpu.memory_space<semaphore_mem>>) src(%dma_wait3A_383 : memref<10000x128xf32, #tpu.memory_space<hbm>>) dst(%dma_wait3A_377 : memref<128x128xf32, #tpu.memory_space<vmem>>)
      %lt3A_384 = arith.cmpi slt, %add3A_355, %add3A_4 : i32
      %convert_element_type3A_385 = arith.extui %lt3A_384 : i1 to i32
      %cond3A_386 = arith.constant 0 : i32
      %cond3A_387 = arith.cmpi ne, %convert_element_type3A_385, %cond3A_386 : i32
      scf.if %cond3A_387 {
        %dma_start3A_681 = arith.constant 1 : i32
        %dma_start3A_682 = arith.constant 1 : i32
        %dma_start3A_683 = arith.constant 0 : i32
        %dma_start3A_684 = arith.constant 0 : i32
        %dma_start3A_685 = tpu.memref_slice %arg7[%scan3A_252, %dma_start3A_683, %dma_start3A_684] : memref<2x128x128xf32, #tpu.memory_space<vmem>> -> memref<1x128x128xf32, #tpu.memory_space<vmem>>
        %dma_start3A_686 = tpu.memref_squeeze %dma_start3A_685 : memref<1x128x128xf32, #tpu.memory_space<vmem>> -> memref<128x128xf32, #tpu.memory_space<vmem>>
        %dma_start3A_687 = arith.constant 0 : i32
        %dma_start3A_688 = tpu.memref_slice %arg6[%dma_start3A_681, %dma_start3A_682, %dma_start3A_687] : memref<4x2x128xi32, #tpu.memory_space<vmem>> -> memref<1x1x128xi32, #tpu.memory_space<vmem>>
        %dma_start3A_689 = tpu.memref_squeeze %dma_start3A_688 : memref<1x1x128xi32, #tpu.memory_space<vmem>> -> memref<128xi32, #tpu.memory_space<vmem>>
        %dma_start3A_690 = arith.constant 0 : i32
        %dma_start3A_691 = arith.constant 0 : i32
        %dma_start3A_692 = tpu.memref_slice %arg10[%dma_start3A_690, %dma_start3A_691] : memref<10240x128xf32, #tpu.memory_space<vmem_shared>> -> memref<10240x128xf32, #tpu.memory_space<vmem_shared>>
        tpu.enqueue_indirect_dma source(%dma_start3A_686 : memref<128x128xf32, #tpu.memory_space<vmem>>) target(%dma_start3A_692 : memref<10240x128xf32, #tpu.memory_space<vmem_shared>>) offsets(%dma_start3A_689 : memref<128xi32, #tpu.memory_space<vmem>>) semaphore(%arg15 : memref<!tpu.dma_semaphore, #tpu.memory_space<semaphore_mem>>) {add = true}
        %dma_start3A_693 = arith.constant 1 : i32
        %dma_start3A_694 = arith.constant 1 : i32
        %dma_start3A_695 = arith.constant 0 : i32
        %dma_start3A_696 = tpu.memref_slice %arg6[%dma_start3A_693, %dma_start3A_694, %dma_start3A_695] : memref<4x2x128xi32, #tpu.memory_space<vmem>> -> memref<1x1x128xi32, #tpu.memory_space<vmem>>
        %dma_start3A_697 = tpu.memref_squeeze %dma_start3A_696 : memref<1x1x128xi32, #tpu.memory_space<vmem>> -> memref<128xi32, #tpu.memory_space<vmem>>
        %dma_start3A_698 = arith.constant 0 : i32
        %dma_start3A_699 = tpu.memref_slice %arg11[%dma_start3A_698] : memref<10240xf32, #tpu.memory_space<vmem_shared>> -> memref<10240xf32, #tpu.memory_space<vmem_shared>>
        tpu.enqueue_indirect_dma source(%arg8 : memref<128xf32, #tpu.memory_space<vmem>>) target(%dma_start3A_699 : memref<10240xf32, #tpu.memory_space<vmem_shared>>) offsets(%dma_start3A_697 : memref<128xi32, #tpu.memory_space<vmem>>) semaphore(%arg17 : memref<!tpu.dma_semaphore, #tpu.memory_space<semaphore_mem>>) {add = true}
      } else {
      }
      %lt3A_388 = arith.cmpi slt, %add3A_353, %add3A_4 : i32
      %convert_element_type3A_389 = arith.extui %lt3A_388 : i1 to i32
      %cond3A_390 = arith.constant 0 : i32
      %cond3A_391 = arith.cmpi ne, %convert_element_type3A_389, %cond3A_390 : i32
      scf.if %cond3A_391 {
        %dma_wait3A_681 = arith.constant 0 : i32
        %dma_wait3A_682 = arith.constant 1 : i32
        %dma_wait3A_683 = arith.constant 0 : i32
        %dma_wait3A_684 = arith.constant 0 : i32
        %dma_wait3A_685 = tpu.memref_slice %arg7[%scan3A_251, %dma_wait3A_683, %dma_wait3A_684] : memref<2x128x128xf32, #tpu.memory_space<vmem>> -> memref<1x128x128xf32, #tpu.memory_space<vmem>>
        %dma_wait3A_686 = tpu.memref_squeeze %dma_wait3A_685 : memref<1x128x128xf32, #tpu.memory_space<vmem>> -> memref<128x128xf32, #tpu.memory_space<vmem>>
        %dma_wait3A_687 = arith.constant 0 : i32
        %dma_wait3A_688 = tpu.memref_slice %arg6[%dma_wait3A_681, %dma_wait3A_682, %dma_wait3A_687] : memref<4x2x128xi32, #tpu.memory_space<vmem>> -> memref<1x1x128xi32, #tpu.memory_space<vmem>>
        %dma_wait3A_689 = tpu.memref_squeeze %dma_wait3A_688 : memref<1x1x128xi32, #tpu.memory_space<vmem>> -> memref<128xi32, #tpu.memory_space<vmem>>
        %dma_wait3A_690 = arith.constant 0 : i32
        %dma_wait3A_691 = arith.constant 0 : i32
        %dma_wait3A_692 = tpu.memref_slice %arg10[%dma_wait3A_690, %dma_wait3A_691] : memref<10240x128xf32, #tpu.memory_space<vmem_shared>> -> memref<10240x128xf32, #tpu.memory_space<vmem_shared>>
        tpu.wait_indirect_dma semaphore(%arg14 : memref<!tpu.dma_semaphore, #tpu.memory_space<semaphore_mem>>) src(%dma_wait3A_686 : memref<128x128xf32, #tpu.memory_space<vmem>>) dst(%dma_wait3A_692 : memref<10240x128xf32, #tpu.memory_space<vmem_shared>>)
        %dma_wait3A_693 = arith.constant 0 : i32
        %dma_wait3A_694 = arith.constant 1 : i32
        %dma_wait3A_695 = arith.constant 0 : i32
        %dma_wait3A_696 = tpu.memref_slice %arg6[%dma_wait3A_693, %dma_wait3A_694, %dma_wait3A_695] : memref<4x2x128xi32, #tpu.memory_space<vmem>> -> memref<1x1x128xi32, #tpu.memory_space<vmem>>
        %dma_wait3A_697 = tpu.memref_squeeze %dma_wait3A_696 : memref<1x1x128xi32, #tpu.memory_space<vmem>> -> memref<128xi32, #tpu.memory_space<vmem>>
        %dma_wait3A_698 = arith.constant 0 : i32
        %dma_wait3A_699 = tpu.memref_slice %arg11[%dma_wait3A_698] : memref<10240xf32, #tpu.memory_space<vmem_shared>> -> memref<10240xf32, #tpu.memory_space<vmem_shared>>
        tpu.wait_indirect_dma semaphore(%arg16 : memref<!tpu.dma_semaphore, #tpu.memory_space<semaphore_mem>>) src(%arg8 : memref<128xf32, #tpu.memory_space<vmem>>) dst(%dma_wait3A_699 : memref<10240xf32, #tpu.memory_space<vmem_shared>>)
      } else {
      }
      %add3A_392 = arith.constant 4 : i32
      %add3A_393 = arith.addi %add3A_353, %add3A_392 : i32
      %min3A_394 = arith.constant 80 : i32
      %min3A_395 = arith.minsi %add3A_393, %min3A_394 : i32
      %mul3A_396 = arith.constant 32 : i32
      %mul3A_397 = arith.muli %mul3A_396, %min3A_395 : i32
      %add3A_398 = arith.addi %add3A, %mul3A_397 : i32
      %min3A_399 = arith.constant 2499 : i32
      %min3A_400 = arith.minsi %add3A_398, %min3A_399 : i32
      %mul3A_401 = arith.constant 128 : i32
      %mul3A_402 = arith.muli %min3A_400, %mul3A_401 : i32
      %dma_start3A_403 = arith.constant 0 : i32
      %dma_start3A_404 = arith.constant 0 : i32
      %dma_start3A_405 = arith.constant 0 : i32
      %dma_start3A_406 = tpu.memref_slice %arg6[%dma_start3A_403, %dma_start3A_404, %dma_start3A_405] : memref<4x2x128xi32, #tpu.memory_space<vmem>> -> memref<1x2x128xi32, #tpu.memory_space<vmem>>
      %dma_start3A_407 = tpu.memref_squeeze %dma_start3A_406 : memref<1x2x128xi32, #tpu.memory_space<vmem>> -> memref<2x128xi32, #tpu.memory_space<vmem>>
      %dma_start3A_408 = arith.constant 0 : i32
      %dma_start3A_409 = tpu.memref_slice %arg3[%dma_start3A_408, %mul3A_402] : memref<2x320000xi32, #tpu.memory_space<hbm>> -> memref<2x128xi32, #tpu.memory_space<hbm>>
      %dma_start3A_410 = arith.constant 0 : i32
      %dma_start3A_411 = arith.constant 0 : i32
      %dma_start3A_412 = tpu.memref_slice %arg6[%dma_start3A_403, %dma_start3A_410, %dma_start3A_411] : memref<4x2x128xi32, #tpu.memory_space<vmem>> -> memref<1x2x128xi32, #tpu.memory_space<vmem>>
      %dma_start3A_413 = tpu.memref_squeeze %dma_start3A_412 : memref<1x2x128xi32, #tpu.memory_space<vmem>> -> memref<2x128xi32, #tpu.memory_space<vmem>>
      %dma_start3A_414 = arith.constant 0 : i32
      %dma_start3A_415 = tpu.memref_slice %arg3[%dma_start3A_414, %mul3A_402] : memref<2x320000xi32, #tpu.memory_space<hbm>> -> memref<2x128xi32, #tpu.memory_space<hbm>>
      tpu.enqueue_dma source(%dma_start3A_415 : memref<2x128xi32, #tpu.memory_space<hbm>>) target(%dma_start3A_413 : memref<2x128xi32, #tpu.memory_space<vmem>>) target_semaphore(%arg18 : memref<!tpu.dma_semaphore, #tpu.memory_space<semaphore_mem>>)
      %add3A_416 = arith.constant 2 : i32
      %add3A_417 = arith.addi %mul3A_351, %add3A_416 : i32
      %min3A_418 = arith.constant 80 : i32
      %min3A_419 = arith.minsi %add3A_417, %min3A_418 : i32
      %mul3A_420 = arith.constant 32 : i32
      %mul3A_421 = arith.muli %mul3A_420, %min3A_419 : i32
      %add3A_422 = arith.addi %add3A, %mul3A_421 : i32
      %min3A_423 = arith.constant 2499 : i32
      %min3A_424 = arith.minsi %add3A_422, %min3A_423 : i32
      %mul3A_425 = arith.constant 128 : i32
      %mul3A_426 = arith.muli %min3A_424, %mul3A_425 : i32
      %dma_wait3A_427 = arith.constant 2 : i32
      %dma_wait3A_428 = arith.constant 0 : i32
      %dma_wait3A_429 = arith.constant 0 : i32
      %dma_wait3A_430 = tpu.memref_slice %arg6[%dma_wait3A_427, %dma_wait3A_428, %dma_wait3A_429] : memref<4x2x128xi32, #tpu.memory_space<vmem>> -> memref<1x2x128xi32, #tpu.memory_space<vmem>>
      %dma_wait3A_431 = tpu.memref_squeeze %dma_wait3A_430 : memref<1x2x128xi32, #tpu.memory_space<vmem>> -> memref<2x128xi32, #tpu.memory_space<vmem>>
      %dma_wait3A_432 = arith.constant 0 : i32
      %dma_wait3A_433 = tpu.memref_slice %arg3[%dma_wait3A_432, %mul3A_426] : memref<2x320000xi32, #tpu.memory_space<hbm>> -> memref<2x128xi32, #tpu.memory_space<hbm>>
      %dma_wait3A_434 = arith.constant 0 : i32
      %dma_wait3A_435 = arith.constant 0 : i32
      %dma_wait3A_436 = tpu.memref_slice %arg6[%dma_wait3A_427, %dma_wait3A_434, %dma_wait3A_435] : memref<4x2x128xi32, #tpu.memory_space<vmem>> -> memref<1x2x128xi32, #tpu.memory_space<vmem>>
      %dma_wait3A_437 = tpu.memref_squeeze %dma_wait3A_436 : memref<1x2x128xi32, #tpu.memory_space<vmem>> -> memref<2x128xi32, #tpu.memory_space<vmem>>
      %dma_wait3A_438 = arith.constant 0 : i32
      %dma_wait3A_439 = tpu.memref_slice %arg3[%dma_wait3A_438, %mul3A_426] : memref<2x320000xi32, #tpu.memory_space<hbm>> -> memref<2x128xi32, #tpu.memory_space<hbm>>
      tpu.wait_dma2 semaphore(%arg20 : memref<!tpu.dma_semaphore, #tpu.memory_space<semaphore_mem>>) src(%dma_wait3A_439 : memref<2x128xi32, #tpu.memory_space<hbm>>) dst(%dma_wait3A_437 : memref<2x128xi32, #tpu.memory_space<vmem>>)
      %dma_start3A_440 = arith.constant 2 : i32
      %dma_start3A_441 = arith.constant 0 : i32
      %dma_start3A_442 = arith.constant 0 : i32
      %dma_start3A_443 = arith.constant 0 : i32
      %dma_start3A_444 = tpu.memref_slice %arg7[%scan3A_251, %dma_start3A_442, %dma_start3A_443] : memref<2x128x128xf32, #tpu.memory_space<vmem>> -> memref<1x128x128xf32, #tpu.memory_space<vmem>>
      %dma_start3A_445 = tpu.memref_squeeze %dma_start3A_444 : memref<1x128x128xf32, #tpu.memory_space<vmem>> -> memref<128x128xf32, #tpu.memory_space<vmem>>
      %dma_start3A_446 = arith.constant 0 : i32
      %dma_start3A_447 = tpu.memref_slice %arg6[%dma_start3A_440, %dma_start3A_441, %dma_start3A_446] : memref<4x2x128xi32, #tpu.memory_space<vmem>> -> memref<1x1x128xi32, #tpu.memory_space<vmem>>
      %dma_start3A_448 = tpu.memref_squeeze %dma_start3A_447 : memref<1x1x128xi32, #tpu.memory_space<vmem>> -> memref<128xi32, #tpu.memory_space<vmem>>
      %dma_start3A_449 = arith.constant 0 : i32
      %dma_start3A_450 = arith.constant 0 : i32
      %dma_start3A_451 = tpu.memref_slice %arg2[%dma_start3A_449, %dma_start3A_450] : memref<10000x128xf32, #tpu.memory_space<hbm>> -> memref<10000x128xf32, #tpu.memory_space<hbm>>
      tpu.enqueue_indirect_dma source(%dma_start3A_451 : memref<10000x128xf32, #tpu.memory_space<hbm>>) target(%dma_start3A_445 : memref<128x128xf32, #tpu.memory_space<vmem>>) offsets(%dma_start3A_448 : memref<128xi32, #tpu.memory_space<vmem>>) semaphore(%arg12 : memref<!tpu.dma_semaphore, #tpu.memory_space<semaphore_mem>>)
      %lt3A_452 = arith.cmpi slt, %add3A_355, %add3A_4 : i32
      %convert_element_type3A_453 = arith.extui %lt3A_452 : i1 to i32
      %cond3A_454 = arith.constant 0 : i32
      %cond3A_455 = arith.cmpi ne, %convert_element_type3A_453, %cond3A_454 : i32
      scf.if %cond3A_455 {
        %dma_wait3A_681 = arith.constant 1 : i32
        %dma_wait3A_682 = arith.constant 1 : i32
        %dma_wait3A_683 = arith.constant 0 : i32
        %dma_wait3A_684 = arith.constant 0 : i32
        %dma_wait3A_685 = tpu.memref_slice %arg7[%scan3A_252, %dma_wait3A_683, %dma_wait3A_684] : memref<2x128x128xf32, #tpu.memory_space<vmem>> -> memref<1x128x128xf32, #tpu.memory_space<vmem>>
        %dma_wait3A_686 = tpu.memref_squeeze %dma_wait3A_685 : memref<1x128x128xf32, #tpu.memory_space<vmem>> -> memref<128x128xf32, #tpu.memory_space<vmem>>
        %dma_wait3A_687 = arith.constant 0 : i32
        %dma_wait3A_688 = tpu.memref_slice %arg6[%dma_wait3A_681, %dma_wait3A_682, %dma_wait3A_687] : memref<4x2x128xi32, #tpu.memory_space<vmem>> -> memref<1x1x128xi32, #tpu.memory_space<vmem>>
        %dma_wait3A_689 = tpu.memref_squeeze %dma_wait3A_688 : memref<1x1x128xi32, #tpu.memory_space<vmem>> -> memref<128xi32, #tpu.memory_space<vmem>>
        %dma_wait3A_690 = arith.constant 0 : i32
        %dma_wait3A_691 = arith.constant 0 : i32
        %dma_wait3A_692 = tpu.memref_slice %arg10[%dma_wait3A_690, %dma_wait3A_691] : memref<10240x128xf32, #tpu.memory_space<vmem_shared>> -> memref<10240x128xf32, #tpu.memory_space<vmem_shared>>
        tpu.wait_indirect_dma semaphore(%arg15 : memref<!tpu.dma_semaphore, #tpu.memory_space<semaphore_mem>>) src(%dma_wait3A_686 : memref<128x128xf32, #tpu.memory_space<vmem>>) dst(%dma_wait3A_692 : memref<10240x128xf32, #tpu.memory_space<vmem_shared>>)
        %dma_wait3A_693 = arith.constant 1 : i32
        %dma_wait3A_694 = arith.constant 1 : i32
        %dma_wait3A_695 = arith.constant 0 : i32
        %dma_wait3A_696 = tpu.memref_slice %arg6[%dma_wait3A_693, %dma_wait3A_694, %dma_wait3A_695] : memref<4x2x128xi32, #tpu.memory_space<vmem>> -> memref<1x1x128xi32, #tpu.memory_space<vmem>>
        %dma_wait3A_697 = tpu.memref_squeeze %dma_wait3A_696 : memref<1x1x128xi32, #tpu.memory_space<vmem>> -> memref<128xi32, #tpu.memory_space<vmem>>
        %dma_wait3A_698 = arith.constant 0 : i32
        %dma_wait3A_699 = tpu.memref_slice %arg11[%dma_wait3A_698] : memref<10240xf32, #tpu.memory_space<vmem_shared>> -> memref<10240xf32, #tpu.memory_space<vmem_shared>>
        tpu.wait_indirect_dma semaphore(%arg17 : memref<!tpu.dma_semaphore, #tpu.memory_space<semaphore_mem>>) src(%arg8 : memref<128xf32, #tpu.memory_space<vmem>>) dst(%dma_wait3A_699 : memref<10240xf32, #tpu.memory_space<vmem_shared>>)
      } else {
      }
      %add3A_456 = arith.constant 4 : i32
      %add3A_457 = arith.addi %add3A_355, %add3A_456 : i32
      %min3A_458 = arith.constant 80 : i32
      %min3A_459 = arith.minsi %add3A_457, %min3A_458 : i32
      %mul3A_460 = arith.constant 32 : i32
      %mul3A_461 = arith.muli %mul3A_460, %min3A_459 : i32
      %add3A_462 = arith.addi %add3A, %mul3A_461 : i32
      %min3A_463 = arith.constant 2499 : i32
      %min3A_464 = arith.minsi %add3A_462, %min3A_463 : i32
      %mul3A_465 = arith.constant 128 : i32
      %mul3A_466 = arith.muli %min3A_464, %mul3A_465 : i32
      %dma_start3A_467 = arith.constant 1 : i32
      %dma_start3A_468 = arith.constant 0 : i32
      %dma_start3A_469 = arith.constant 0 : i32
      %dma_start3A_470 = tpu.memref_slice %arg6[%dma_start3A_467, %dma_start3A_468, %dma_start3A_469] : memref<4x2x128xi32, #tpu.memory_space<vmem>> -> memref<1x2x128xi32, #tpu.memory_space<vmem>>
      %dma_start3A_471 = tpu.memref_squeeze %dma_start3A_470 : memref<1x2x128xi32, #tpu.memory_space<vmem>> -> memref<2x128xi32, #tpu.memory_space<vmem>>
      %dma_start3A_472 = arith.constant 0 : i32
      %dma_start3A_473 = tpu.memref_slice %arg3[%dma_start3A_472, %mul3A_466] : memref<2x320000xi32, #tpu.memory_space<hbm>> -> memref<2x128xi32, #tpu.memory_space<hbm>>
      %dma_start3A_474 = arith.constant 0 : i32
      %dma_start3A_475 = arith.constant 0 : i32
      %dma_start3A_476 = tpu.memref_slice %arg6[%dma_start3A_467, %dma_start3A_474, %dma_start3A_475] : memref<4x2x128xi32, #tpu.memory_space<vmem>> -> memref<1x2x128xi32, #tpu.memory_space<vmem>>
      %dma_start3A_477 = tpu.memref_squeeze %dma_start3A_476 : memref<1x2x128xi32, #tpu.memory_space<vmem>> -> memref<2x128xi32, #tpu.memory_space<vmem>>
      %dma_start3A_478 = arith.constant 0 : i32
      %dma_start3A_479 = tpu.memref_slice %arg3[%dma_start3A_478, %mul3A_466] : memref<2x320000xi32, #tpu.memory_space<hbm>> -> memref<2x128xi32, #tpu.memory_space<hbm>>
      tpu.enqueue_dma source(%dma_start3A_479 : memref<2x128xi32, #tpu.memory_space<hbm>>) target(%dma_start3A_477 : memref<2x128xi32, #tpu.memory_space<vmem>>) target_semaphore(%arg19 : memref<!tpu.dma_semaphore, #tpu.memory_space<semaphore_mem>>)
      %add3A_480 = arith.constant 3 : i32
      %add3A_481 = arith.addi %mul3A_351, %add3A_480 : i32
      %min3A_482 = arith.constant 80 : i32
      %min3A_483 = arith.minsi %add3A_481, %min3A_482 : i32
      %mul3A_484 = arith.constant 32 : i32
      %mul3A_485 = arith.muli %mul3A_484, %min3A_483 : i32
      %add3A_486 = arith.addi %add3A, %mul3A_485 : i32
      %min3A_487 = arith.constant 2499 : i32
      %min3A_488 = arith.minsi %add3A_486, %min3A_487 : i32
      %mul3A_489 = arith.constant 128 : i32
      %mul3A_490 = arith.muli %min3A_488, %mul3A_489 : i32
      %dma_wait3A_491 = arith.constant 3 : i32
      %dma_wait3A_492 = arith.constant 0 : i32
      %dma_wait3A_493 = arith.constant 0 : i32
      %dma_wait3A_494 = tpu.memref_slice %arg6[%dma_wait3A_491, %dma_wait3A_492, %dma_wait3A_493] : memref<4x2x128xi32, #tpu.memory_space<vmem>> -> memref<1x2x128xi32, #tpu.memory_space<vmem>>
      %dma_wait3A_495 = tpu.memref_squeeze %dma_wait3A_494 : memref<1x2x128xi32, #tpu.memory_space<vmem>> -> memref<2x128xi32, #tpu.memory_space<vmem>>
      %dma_wait3A_496 = arith.constant 0 : i32
      %dma_wait3A_497 = tpu.memref_slice %arg3[%dma_wait3A_496, %mul3A_490] : memref<2x320000xi32, #tpu.memory_space<hbm>> -> memref<2x128xi32, #tpu.memory_space<hbm>>
      %dma_wait3A_498 = arith.constant 0 : i32
      %dma_wait3A_499 = arith.constant 0 : i32
      %dma_wait3A_500 = tpu.memref_slice %arg6[%dma_wait3A_491, %dma_wait3A_498, %dma_wait3A_499] : memref<4x2x128xi32, #tpu.memory_space<vmem>> -> memref<1x2x128xi32, #tpu.memory_space<vmem>>
      %dma_wait3A_501 = tpu.memref_squeeze %dma_wait3A_500 : memref<1x2x128xi32, #tpu.memory_space<vmem>> -> memref<2x128xi32, #tpu.memory_space<vmem>>
      %dma_wait3A_502 = arith.constant 0 : i32
      %dma_wait3A_503 = tpu.memref_slice %arg3[%dma_wait3A_502, %mul3A_490] : memref<2x320000xi32, #tpu.memory_space<hbm>> -> memref<2x128xi32, #tpu.memory_space<hbm>>
      tpu.wait_dma2 semaphore(%arg21 : memref<!tpu.dma_semaphore, #tpu.memory_space<semaphore_mem>>) src(%dma_wait3A_503 : memref<2x128xi32, #tpu.memory_space<hbm>>) dst(%dma_wait3A_501 : memref<2x128xi32, #tpu.memory_space<vmem>>)
      %dma_start3A_504 = arith.constant 3 : i32
      %dma_start3A_505 = arith.constant 0 : i32
      %dma_start3A_506 = arith.constant 0 : i32
      %dma_start3A_507 = arith.constant 0 : i32
      %dma_start3A_508 = tpu.memref_slice %arg7[%scan3A_252, %dma_start3A_506, %dma_start3A_507] : memref<2x128x128xf32, #tpu.memory_space<vmem>> -> memref<1x128x128xf32, #tpu.memory_space<vmem>>
      %dma_start3A_509 = tpu.memref_squeeze %dma_start3A_508 : memref<1x128x128xf32, #tpu.memory_space<vmem>> -> memref<128x128xf32, #tpu.memory_space<vmem>>
      %dma_start3A_510 = arith.constant 0 : i32
      %dma_start3A_511 = tpu.memref_slice %arg6[%dma_start3A_504, %dma_start3A_505, %dma_start3A_510] : memref<4x2x128xi32, #tpu.memory_space<vmem>> -> memref<1x1x128xi32, #tpu.memory_space<vmem>>
      %dma_start3A_512 = tpu.memref_squeeze %dma_start3A_511 : memref<1x1x128xi32, #tpu.memory_space<vmem>> -> memref<128xi32, #tpu.memory_space<vmem>>
      %dma_start3A_513 = arith.constant 0 : i32
      %dma_start3A_514 = arith.constant 0 : i32
      %dma_start3A_515 = tpu.memref_slice %arg2[%dma_start3A_513, %dma_start3A_514] : memref<10000x128xf32, #tpu.memory_space<hbm>> -> memref<10000x128xf32, #tpu.memory_space<hbm>>
      tpu.enqueue_indirect_dma source(%dma_start3A_515 : memref<10000x128xf32, #tpu.memory_space<hbm>>) target(%dma_start3A_509 : memref<128x128xf32, #tpu.memory_space<vmem>>) offsets(%dma_start3A_512 : memref<128xi32, #tpu.memory_space<vmem>>) semaphore(%arg13 : memref<!tpu.dma_semaphore, #tpu.memory_space<semaphore_mem>>)
      %add3A_516 = arith.constant 2 : i32
      %add3A_517 = arith.addi %mul3A_351, %add3A_516 : i32
      %add3A_518 = arith.constant 3 : i32
      %add3A_519 = arith.addi %mul3A_351, %add3A_518 : i32
      %dma_wait3A_520 = arith.constant 2 : i32
      %dma_wait3A_521 = arith.constant 0 : i32
      %dma_wait3A_522 = arith.constant 0 : i32
      %dma_wait3A_523 = arith.constant 0 : i32
      %dma_wait3A_524 = tpu.memref_slice %arg7[%scan3A_251, %dma_wait3A_522, %dma_wait3A_523] : memref<2x128x128xf32, #tpu.memory_space<vmem>> -> memref<1x128x128xf32, #tpu.memory_space<vmem>>
      %dma_wait3A_525 = tpu.memref_squeeze %dma_wait3A_524 : memref<1x128x128xf32, #tpu.memory_space<vmem>> -> memref<128x128xf32, #tpu.memory_space<vmem>>
      %dma_wait3A_526 = arith.constant 0 : i32
      %dma_wait3A_527 = tpu.memref_slice %arg6[%dma_wait3A_520, %dma_wait3A_521, %dma_wait3A_526] : memref<4x2x128xi32, #tpu.memory_space<vmem>> -> memref<1x1x128xi32, #tpu.memory_space<vmem>>
      %dma_wait3A_528 = tpu.memref_squeeze %dma_wait3A_527 : memref<1x1x128xi32, #tpu.memory_space<vmem>> -> memref<128xi32, #tpu.memory_space<vmem>>
      %dma_wait3A_529 = arith.constant 0 : i32
      %dma_wait3A_530 = arith.constant 0 : i32
      %dma_wait3A_531 = tpu.memref_slice %arg2[%dma_wait3A_529, %dma_wait3A_530] : memref<10000x128xf32, #tpu.memory_space<hbm>> -> memref<10000x128xf32, #tpu.memory_space<hbm>>
      tpu.wait_indirect_dma semaphore(%arg12 : memref<!tpu.dma_semaphore, #tpu.memory_space<semaphore_mem>>) src(%dma_wait3A_531 : memref<10000x128xf32, #tpu.memory_space<hbm>>) dst(%dma_wait3A_525 : memref<128x128xf32, #tpu.memory_space<vmem>>)
      %lt3A_532 = arith.cmpi slt, %add3A_517, %add3A_4 : i32
      %convert_element_type3A_533 = arith.extui %lt3A_532 : i1 to i32
      %cond3A_534 = arith.constant 0 : i32
      %cond3A_535 = arith.cmpi ne, %convert_element_type3A_533, %cond3A_534 : i32
      scf.if %cond3A_535 {
        %dma_start3A_681 = arith.constant 2 : i32
        %dma_start3A_682 = arith.constant 1 : i32
        %dma_start3A_683 = arith.constant 0 : i32
        %dma_start3A_684 = arith.constant 0 : i32
        %dma_start3A_685 = tpu.memref_slice %arg7[%scan3A_251, %dma_start3A_683, %dma_start3A_684] : memref<2x128x128xf32, #tpu.memory_space<vmem>> -> memref<1x128x128xf32, #tpu.memory_space<vmem>>
        %dma_start3A_686 = tpu.memref_squeeze %dma_start3A_685 : memref<1x128x128xf32, #tpu.memory_space<vmem>> -> memref<128x128xf32, #tpu.memory_space<vmem>>
        %dma_start3A_687 = arith.constant 0 : i32
        %dma_start3A_688 = tpu.memref_slice %arg6[%dma_start3A_681, %dma_start3A_682, %dma_start3A_687] : memref<4x2x128xi32, #tpu.memory_space<vmem>> -> memref<1x1x128xi32, #tpu.memory_space<vmem>>
        %dma_start3A_689 = tpu.memref_squeeze %dma_start3A_688 : memref<1x1x128xi32, #tpu.memory_space<vmem>> -> memref<128xi32, #tpu.memory_space<vmem>>
        %dma_start3A_690 = arith.constant 0 : i32
        %dma_start3A_691 = arith.constant 0 : i32
        %dma_start3A_692 = tpu.memref_slice %arg10[%dma_start3A_690, %dma_start3A_691] : memref<10240x128xf32, #tpu.memory_space<vmem_shared>> -> memref<10240x128xf32, #tpu.memory_space<vmem_shared>>
        tpu.enqueue_indirect_dma source(%dma_start3A_686 : memref<128x128xf32, #tpu.memory_space<vmem>>) target(%dma_start3A_692 : memref<10240x128xf32, #tpu.memory_space<vmem_shared>>) offsets(%dma_start3A_689 : memref<128xi32, #tpu.memory_space<vmem>>) semaphore(%arg14 : memref<!tpu.dma_semaphore, #tpu.memory_space<semaphore_mem>>) {add = true}
        %dma_start3A_693 = arith.constant 2 : i32
        %dma_start3A_694 = arith.constant 1 : i32
        %dma_start3A_695 = arith.constant 0 : i32
        %dma_start3A_696 = tpu.memref_slice %arg6[%dma_start3A_693, %dma_start3A_694, %dma_start3A_695] : memref<4x2x128xi32, #tpu.memory_space<vmem>> -> memref<1x1x128xi32, #tpu.memory_space<vmem>>
        %dma_start3A_697 = tpu.memref_squeeze %dma_start3A_696 : memref<1x1x128xi32, #tpu.memory_space<vmem>> -> memref<128xi32, #tpu.memory_space<vmem>>
        %dma_start3A_698 = arith.constant 0 : i32
        %dma_start3A_699 = tpu.memref_slice %arg11[%dma_start3A_698] : memref<10240xf32, #tpu.memory_space<vmem_shared>> -> memref<10240xf32, #tpu.memory_space<vmem_shared>>
        tpu.enqueue_indirect_dma source(%arg8 : memref<128xf32, #tpu.memory_space<vmem>>) target(%dma_start3A_699 : memref<10240xf32, #tpu.memory_space<vmem_shared>>) offsets(%dma_start3A_697 : memref<128xi32, #tpu.memory_space<vmem>>) semaphore(%arg16 : memref<!tpu.dma_semaphore, #tpu.memory_space<semaphore_mem>>) {add = true}
      } else {
      }
      %dma_wait3A_536 = arith.constant 3 : i32
      %dma_wait3A_537 = arith.constant 0 : i32
      %dma_wait3A_538 = arith.constant 0 : i32
      %dma_wait3A_539 = arith.constant 0 : i32
      %dma_wait3A_540 = tpu.memref_slice %arg7[%scan3A_252, %dma_wait3A_538, %dma_wait3A_539] : memref<2x128x128xf32, #tpu.memory_space<vmem>> -> memref<1x128x128xf32, #tpu.memory_space<vmem>>
      %dma_wait3A_541 = tpu.memref_squeeze %dma_wait3A_540 : memref<1x128x128xf32, #tpu.memory_space<vmem>> -> memref<128x128xf32, #tpu.memory_space<vmem>>
      %dma_wait3A_542 = arith.constant 0 : i32
      %dma_wait3A_543 = tpu.memref_slice %arg6[%dma_wait3A_536, %dma_wait3A_537, %dma_wait3A_542] : memref<4x2x128xi32, #tpu.memory_space<vmem>> -> memref<1x1x128xi32, #tpu.memory_space<vmem>>
      %dma_wait3A_544 = tpu.memref_squeeze %dma_wait3A_543 : memref<1x1x128xi32, #tpu.memory_space<vmem>> -> memref<128xi32, #tpu.memory_space<vmem>>
      %dma_wait3A_545 = arith.constant 0 : i32
      %dma_wait3A_546 = arith.constant 0 : i32
      %dma_wait3A_547 = tpu.memref_slice %arg2[%dma_wait3A_545, %dma_wait3A_546] : memref<10000x128xf32, #tpu.memory_space<hbm>> -> memref<10000x128xf32, #tpu.memory_space<hbm>>
      tpu.wait_indirect_dma semaphore(%arg13 : memref<!tpu.dma_semaphore, #tpu.memory_space<semaphore_mem>>) src(%dma_wait3A_547 : memref<10000x128xf32, #tpu.memory_space<hbm>>) dst(%dma_wait3A_541 : memref<128x128xf32, #tpu.memory_space<vmem>>)
      %lt3A_548 = arith.cmpi slt, %add3A_519, %add3A_4 : i32
      %convert_element_type3A_549 = arith.extui %lt3A_548 : i1 to i32
      %cond3A_550 = arith.constant 0 : i32
      %cond3A_551 = arith.cmpi ne, %convert_element_type3A_549, %cond3A_550 : i32
      scf.if %cond3A_551 {
        %dma_start3A_681 = arith.constant 3 : i32
        %dma_start3A_682 = arith.constant 1 : i32
        %dma_start3A_683 = arith.constant 0 : i32
        %dma_start3A_684 = arith.constant 0 : i32
        %dma_start3A_685 = tpu.memref_slice %arg7[%scan3A_252, %dma_start3A_683, %dma_start3A_684] : memref<2x128x128xf32, #tpu.memory_space<vmem>> -> memref<1x128x128xf32, #tpu.memory_space<vmem>>
        %dma_start3A_686 = tpu.memref_squeeze %dma_start3A_685 : memref<1x128x128xf32, #tpu.memory_space<vmem>> -> memref<128x128xf32, #tpu.memory_space<vmem>>
        %dma_start3A_687 = arith.constant 0 : i32
        %dma_start3A_688 = tpu.memref_slice %arg6[%dma_start3A_681, %dma_start3A_682, %dma_start3A_687] : memref<4x2x128xi32, #tpu.memory_space<vmem>> -> memref<1x1x128xi32, #tpu.memory_space<vmem>>
        %dma_start3A_689 = tpu.memref_squeeze %dma_start3A_688 : memref<1x1x128xi32, #tpu.memory_space<vmem>> -> memref<128xi32, #tpu.memory_space<vmem>>
        %dma_start3A_690 = arith.constant 0 : i32
        %dma_start3A_691 = arith.constant 0 : i32
        %dma_start3A_692 = tpu.memref_slice %arg10[%dma_start3A_690, %dma_start3A_691] : memref<10240x128xf32, #tpu.memory_space<vmem_shared>> -> memref<10240x128xf32, #tpu.memory_space<vmem_shared>>
        tpu.enqueue_indirect_dma source(%dma_start3A_686 : memref<128x128xf32, #tpu.memory_space<vmem>>) target(%dma_start3A_692 : memref<10240x128xf32, #tpu.memory_space<vmem_shared>>) offsets(%dma_start3A_689 : memref<128xi32, #tpu.memory_space<vmem>>) semaphore(%arg15 : memref<!tpu.dma_semaphore, #tpu.memory_space<semaphore_mem>>) {add = true}
        %dma_start3A_693 = arith.constant 3 : i32
        %dma_start3A_694 = arith.constant 1 : i32
        %dma_start3A_695 = arith.constant 0 : i32
        %dma_start3A_696 = tpu.memref_slice %arg6[%dma_start3A_693, %dma_start3A_694, %dma_start3A_695] : memref<4x2x128xi32, #tpu.memory_space<vmem>> -> memref<1x1x128xi32, #tpu.memory_space<vmem>>
        %dma_start3A_697 = tpu.memref_squeeze %dma_start3A_696 : memref<1x1x128xi32, #tpu.memory_space<vmem>> -> memref<128xi32, #tpu.memory_space<vmem>>
        %dma_start3A_698 = arith.constant 0 : i32
        %dma_start3A_699 = tpu.memref_slice %arg11[%dma_start3A_698] : memref<10240xf32, #tpu.memory_space<vmem_shared>> -> memref<10240xf32, #tpu.memory_space<vmem_shared>>
        tpu.enqueue_indirect_dma source(%arg8 : memref<128xf32, #tpu.memory_space<vmem>>) target(%dma_start3A_699 : memref<10240xf32, #tpu.memory_space<vmem_shared>>) offsets(%dma_start3A_697 : memref<128xi32, #tpu.memory_space<vmem>>) semaphore(%arg17 : memref<!tpu.dma_semaphore, #tpu.memory_space<semaphore_mem>>) {add = true}
      } else {
      }
      %lt3A_552 = arith.cmpi slt, %add3A_517, %add3A_4 : i32
      %convert_element_type3A_553 = arith.extui %lt3A_552 : i1 to i32
      %cond3A_554 = arith.constant 0 : i32
      %cond3A_555 = arith.cmpi ne, %convert_element_type3A_553, %cond3A_554 : i32
      scf.if %cond3A_555 {
        %dma_wait3A_681 = arith.constant 2 : i32
        %dma_wait3A_682 = arith.constant 1 : i32
        %dma_wait3A_683 = arith.constant 0 : i32
        %dma_wait3A_684 = arith.constant 0 : i32
        %dma_wait3A_685 = tpu.memref_slice %arg7[%scan3A_251, %dma_wait3A_683, %dma_wait3A_684] : memref<2x128x128xf32, #tpu.memory_space<vmem>> -> memref<1x128x128xf32, #tpu.memory_space<vmem>>
        %dma_wait3A_686 = tpu.memref_squeeze %dma_wait3A_685 : memref<1x128x128xf32, #tpu.memory_space<vmem>> -> memref<128x128xf32, #tpu.memory_space<vmem>>
        %dma_wait3A_687 = arith.constant 0 : i32
        %dma_wait3A_688 = tpu.memref_slice %arg6[%dma_wait3A_681, %dma_wait3A_682, %dma_wait3A_687] : memref<4x2x128xi32, #tpu.memory_space<vmem>> -> memref<1x1x128xi32, #tpu.memory_space<vmem>>
        %dma_wait3A_689 = tpu.memref_squeeze %dma_wait3A_688 : memref<1x1x128xi32, #tpu.memory_space<vmem>> -> memref<128xi32, #tpu.memory_space<vmem>>
        %dma_wait3A_690 = arith.constant 0 : i32
        %dma_wait3A_691 = arith.constant 0 : i32
        %dma_wait3A_692 = tpu.memref_slice %arg10[%dma_wait3A_690, %dma_wait3A_691] : memref<10240x128xf32, #tpu.memory_space<vmem_shared>> -> memref<10240x128xf32, #tpu.memory_space<vmem_shared>>
        tpu.wait_indirect_dma semaphore(%arg14 : memref<!tpu.dma_semaphore, #tpu.memory_space<semaphore_mem>>) src(%dma_wait3A_686 : memref<128x128xf32, #tpu.memory_space<vmem>>) dst(%dma_wait3A_692 : memref<10240x128xf32, #tpu.memory_space<vmem_shared>>)
        %dma_wait3A_693 = arith.constant 2 : i32
        %dma_wait3A_694 = arith.constant 1 : i32
        %dma_wait3A_695 = arith.constant 0 : i32
        %dma_wait3A_696 = tpu.memref_slice %arg6[%dma_wait3A_693, %dma_wait3A_694, %dma_wait3A_695] : memref<4x2x128xi32, #tpu.memory_space<vmem>> -> memref<1x1x128xi32, #tpu.memory_space<vmem>>
        %dma_wait3A_697 = tpu.memref_squeeze %dma_wait3A_696 : memref<1x1x128xi32, #tpu.memory_space<vmem>> -> memref<128xi32, #tpu.memory_space<vmem>>
        %dma_wait3A_698 = arith.constant 0 : i32
        %dma_wait3A_699 = tpu.memref_slice %arg11[%dma_wait3A_698] : memref<10240xf32, #tpu.memory_space<vmem_shared>> -> memref<10240xf32, #tpu.memory_space<vmem_shared>>
        tpu.wait_indirect_dma semaphore(%arg16 : memref<!tpu.dma_semaphore, #tpu.memory_space<semaphore_mem>>) src(%arg8 : memref<128xf32, #tpu.memory_space<vmem>>) dst(%dma_wait3A_699 : memref<10240xf32, #tpu.memory_space<vmem_shared>>)
      } else {
      }
      %add3A_556 = arith.constant 4 : i32
      %add3A_557 = arith.addi %add3A_517, %add3A_556 : i32
      %min3A_558 = arith.constant 80 : i32
      %min3A_559 = arith.minsi %add3A_557, %min3A_558 : i32
      %mul3A_560 = arith.constant 32 : i32
      %mul3A_561 = arith.muli %mul3A_560, %min3A_559 : i32
      %add3A_562 = arith.addi %add3A, %mul3A_561 : i32
      %min3A_563 = arith.constant 2499 : i32
      %min3A_564 = arith.minsi %add3A_562, %min3A_563 : i32
      %mul3A_565 = arith.constant 128 : i32
      %mul3A_566 = arith.muli %min3A_564, %mul3A_565 : i32
      %dma_start3A_567 = arith.constant 2 : i32
      %dma_start3A_568 = arith.constant 0 : i32
      %dma_start3A_569 = arith.constant 0 : i32
      %dma_start3A_570 = tpu.memref_slice %arg6[%dma_start3A_567, %dma_start3A_568, %dma_start3A_569] : memref<4x2x128xi32, #tpu.memory_space<vmem>> -> memref<1x2x128xi32, #tpu.memory_space<vmem>>
      %dma_start3A_571 = tpu.memref_squeeze %dma_start3A_570 : memref<1x2x128xi32, #tpu.memory_space<vmem>> -> memref<2x128xi32, #tpu.memory_space<vmem>>
      %dma_start3A_572 = arith.constant 0 : i32
      %dma_start3A_573 = tpu.memref_slice %arg3[%dma_start3A_572, %mul3A_566] : memref<2x320000xi32, #tpu.memory_space<hbm>> -> memref<2x128xi32, #tpu.memory_space<hbm>>
      %dma_start3A_574 = arith.constant 0 : i32
      %dma_start3A_575 = arith.constant 0 : i32
      %dma_start3A_576 = tpu.memref_slice %arg6[%dma_start3A_567, %dma_start3A_574, %dma_start3A_575] : memref<4x2x128xi32, #tpu.memory_space<vmem>> -> memref<1x2x128xi32, #tpu.memory_space<vmem>>
      %dma_start3A_577 = tpu.memref_squeeze %dma_start3A_576 : memref<1x2x128xi32, #tpu.memory_space<vmem>> -> memref<2x128xi32, #tpu.memory_space<vmem>>
      %dma_start3A_578 = arith.constant 0 : i32
      %dma_start3A_579 = tpu.memref_slice %arg3[%dma_start3A_578, %mul3A_566] : memref<2x320000xi32, #tpu.memory_space<hbm>> -> memref<2x128xi32, #tpu.memory_space<hbm>>
      tpu.enqueue_dma source(%dma_start3A_579 : memref<2x128xi32, #tpu.memory_space<hbm>>) target(%dma_start3A_577 : memref<2x128xi32, #tpu.memory_space<vmem>>) target_semaphore(%arg20 : memref<!tpu.dma_semaphore, #tpu.memory_space<semaphore_mem>>)
      %add3A_580 = arith.constant 0 : i32
      %add3A_581 = arith.addi %mul3A_351, %add3A_580 : i32
      %min3A_582 = arith.constant 80 : i32
      %min3A_583 = arith.minsi %add3A_581, %min3A_582 : i32
      %mul3A_584 = arith.constant 32 : i32
      %mul3A_585 = arith.muli %mul3A_584, %min3A_583 : i32
      %add3A_586 = arith.addi %add3A, %mul3A_585 : i32
      %min3A_587 = arith.constant 2499 : i32
      %min3A_588 = arith.minsi %add3A_586, %min3A_587 : i32
      %mul3A_589 = arith.constant 128 : i32
      %mul3A_590 = arith.muli %min3A_588, %mul3A_589 : i32
      %dma_wait3A_591 = arith.constant 0 : i32
      %dma_wait3A_592 = arith.constant 0 : i32
      %dma_wait3A_593 = arith.constant 0 : i32
      %dma_wait3A_594 = tpu.memref_slice %arg6[%dma_wait3A_591, %dma_wait3A_592, %dma_wait3A_593] : memref<4x2x128xi32, #tpu.memory_space<vmem>> -> memref<1x2x128xi32, #tpu.memory_space<vmem>>
      %dma_wait3A_595 = tpu.memref_squeeze %dma_wait3A_594 : memref<1x2x128xi32, #tpu.memory_space<vmem>> -> memref<2x128xi32, #tpu.memory_space<vmem>>
      %dma_wait3A_596 = arith.constant 0 : i32
      %dma_wait3A_597 = tpu.memref_slice %arg3[%dma_wait3A_596, %mul3A_590] : memref<2x320000xi32, #tpu.memory_space<hbm>> -> memref<2x128xi32, #tpu.memory_space<hbm>>
      %dma_wait3A_598 = arith.constant 0 : i32
      %dma_wait3A_599 = arith.constant 0 : i32
      %dma_wait3A_600 = tpu.memref_slice %arg6[%dma_wait3A_591, %dma_wait3A_598, %dma_wait3A_599] : memref<4x2x128xi32, #tpu.memory_space<vmem>> -> memref<1x2x128xi32, #tpu.memory_space<vmem>>
      %dma_wait3A_601 = tpu.memref_squeeze %dma_wait3A_600 : memref<1x2x128xi32, #tpu.memory_space<vmem>> -> memref<2x128xi32, #tpu.memory_space<vmem>>
      %dma_wait3A_602 = arith.constant 0 : i32
      %dma_wait3A_603 = tpu.memref_slice %arg3[%dma_wait3A_602, %mul3A_590] : memref<2x320000xi32, #tpu.memory_space<hbm>> -> memref<2x128xi32, #tpu.memory_space<hbm>>
      tpu.wait_dma2 semaphore(%arg18 : memref<!tpu.dma_semaphore, #tpu.memory_space<semaphore_mem>>) src(%dma_wait3A_603 : memref<2x128xi32, #tpu.memory_space<hbm>>) dst(%dma_wait3A_601 : memref<2x128xi32, #tpu.memory_space<vmem>>)
      %dma_start3A_604 = arith.constant 0 : i32
      %dma_start3A_605 = arith.constant 0 : i32
      %dma_start3A_606 = arith.constant 0 : i32
      %dma_start3A_607 = arith.constant 0 : i32
      %dma_start3A_608 = tpu.memref_slice %arg7[%scan3A_251, %dma_start3A_606, %dma_start3A_607] : memref<2x128x128xf32, #tpu.memory_space<vmem>> -> memref<1x128x128xf32, #tpu.memory_space<vmem>>
      %dma_start3A_609 = tpu.memref_squeeze %dma_start3A_608 : memref<1x128x128xf32, #tpu.memory_space<vmem>> -> memref<128x128xf32, #tpu.memory_space<vmem>>
      %dma_start3A_610 = arith.constant 0 : i32
      %dma_start3A_611 = tpu.memref_slice %arg6[%dma_start3A_604, %dma_start3A_605, %dma_start3A_610] : memref<4x2x128xi32, #tpu.memory_space<vmem>> -> memref<1x1x128xi32, #tpu.memory_space<vmem>>
      %dma_start3A_612 = tpu.memref_squeeze %dma_start3A_611 : memref<1x1x128xi32, #tpu.memory_space<vmem>> -> memref<128xi32, #tpu.memory_space<vmem>>
      %dma_start3A_613 = arith.constant 0 : i32
      %dma_start3A_614 = arith.constant 0 : i32
      %dma_start3A_615 = tpu.memref_slice %arg2[%dma_start3A_613, %dma_start3A_614] : memref<10000x128xf32, #tpu.memory_space<hbm>> -> memref<10000x128xf32, #tpu.memory_space<hbm>>
      tpu.enqueue_indirect_dma source(%dma_start3A_615 : memref<10000x128xf32, #tpu.memory_space<hbm>>) target(%dma_start3A_609 : memref<128x128xf32, #tpu.memory_space<vmem>>) offsets(%dma_start3A_612 : memref<128xi32, #tpu.memory_space<vmem>>) semaphore(%arg12 : memref<!tpu.dma_semaphore, #tpu.memory_space<semaphore_mem>>)
      %lt3A_616 = arith.cmpi slt, %add3A_519, %add3A_4 : i32
      %convert_element_type3A_617 = arith.extui %lt3A_616 : i1 to i32
      %cond3A_618 = arith.constant 0 : i32
      %cond3A_619 = arith.cmpi ne, %convert_element_type3A_617, %cond3A_618 : i32
      scf.if %cond3A_619 {
        %dma_wait3A_681 = arith.constant 3 : i32
        %dma_wait3A_682 = arith.constant 1 : i32
        %dma_wait3A_683 = arith.constant 0 : i32
        %dma_wait3A_684 = arith.constant 0 : i32
        %dma_wait3A_685 = tpu.memref_slice %arg7[%scan3A_252, %dma_wait3A_683, %dma_wait3A_684] : memref<2x128x128xf32, #tpu.memory_space<vmem>> -> memref<1x128x128xf32, #tpu.memory_space<vmem>>
        %dma_wait3A_686 = tpu.memref_squeeze %dma_wait3A_685 : memref<1x128x128xf32, #tpu.memory_space<vmem>> -> memref<128x128xf32, #tpu.memory_space<vmem>>
        %dma_wait3A_687 = arith.constant 0 : i32
        %dma_wait3A_688 = tpu.memref_slice %arg6[%dma_wait3A_681, %dma_wait3A_682, %dma_wait3A_687] : memref<4x2x128xi32, #tpu.memory_space<vmem>> -> memref<1x1x128xi32, #tpu.memory_space<vmem>>
        %dma_wait3A_689 = tpu.memref_squeeze %dma_wait3A_688 : memref<1x1x128xi32, #tpu.memory_space<vmem>> -> memref<128xi32, #tpu.memory_space<vmem>>
        %dma_wait3A_690 = arith.constant 0 : i32
        %dma_wait3A_691 = arith.constant 0 : i32
        %dma_wait3A_692 = tpu.memref_slice %arg10[%dma_wait3A_690, %dma_wait3A_691] : memref<10240x128xf32, #tpu.memory_space<vmem_shared>> -> memref<10240x128xf32, #tpu.memory_space<vmem_shared>>
        tpu.wait_indirect_dma semaphore(%arg15 : memref<!tpu.dma_semaphore, #tpu.memory_space<semaphore_mem>>) src(%dma_wait3A_686 : memref<128x128xf32, #tpu.memory_space<vmem>>) dst(%dma_wait3A_692 : memref<10240x128xf32, #tpu.memory_space<vmem_shared>>)
        %dma_wait3A_693 = arith.constant 3 : i32
        %dma_wait3A_694 = arith.constant 1 : i32
        %dma_wait3A_695 = arith.constant 0 : i32
        %dma_wait3A_696 = tpu.memref_slice %arg6[%dma_wait3A_693, %dma_wait3A_694, %dma_wait3A_695] : memref<4x2x128xi32, #tpu.memory_space<vmem>> -> memref<1x1x128xi32, #tpu.memory_space<vmem>>
        %dma_wait3A_697 = tpu.memref_squeeze %dma_wait3A_696 : memref<1x1x128xi32, #tpu.memory_space<vmem>> -> memref<128xi32, #tpu.memory_space<vmem>>
        %dma_wait3A_698 = arith.constant 0 : i32
        %dma_wait3A_699 = tpu.memref_slice %arg11[%dma_wait3A_698] : memref<10240xf32, #tpu.memory_space<vmem_shared>> -> memref<10240xf32, #tpu.memory_space<vmem_shared>>
        tpu.wait_indirect_dma semaphore(%arg17 : memref<!tpu.dma_semaphore, #tpu.memory_space<semaphore_mem>>) src(%arg8 : memref<128xf32, #tpu.memory_space<vmem>>) dst(%dma_wait3A_699 : memref<10240xf32, #tpu.memory_space<vmem_shared>>)
      } else {
      }
      %add3A_620 = arith.constant 4 : i32
      %add3A_621 = arith.addi %add3A_519, %add3A_620 : i32
      %min3A_622 = arith.constant 80 : i32
      %min3A_623 = arith.minsi %add3A_621, %min3A_622 : i32
      %mul3A_624 = arith.constant 32 : i32
      %mul3A_625 = arith.muli %mul3A_624, %min3A_623 : i32
      %add3A_626 = arith.addi %add3A, %mul3A_625 : i32
      %min3A_627 = arith.constant 2499 : i32
      %min3A_628 = arith.minsi %add3A_626, %min3A_627 : i32
      %mul3A_629 = arith.constant 128 : i32
      %mul3A_630 = arith.muli %min3A_628, %mul3A_629 : i32
      %dma_start3A_631 = arith.constant 3 : i32
      %dma_start3A_632 = arith.constant 0 : i32
      %dma_start3A_633 = arith.constant 0 : i32
      %dma_start3A_634 = tpu.memref_slice %arg6[%dma_start3A_631, %dma_start3A_632, %dma_start3A_633] : memref<4x2x128xi32, #tpu.memory_space<vmem>> -> memref<1x2x128xi32, #tpu.memory_space<vmem>>
      %dma_start3A_635 = tpu.memref_squeeze %dma_start3A_634 : memref<1x2x128xi32, #tpu.memory_space<vmem>> -> memref<2x128xi32, #tpu.memory_space<vmem>>
      %dma_start3A_636 = arith.constant 0 : i32
      %dma_start3A_637 = tpu.memref_slice %arg3[%dma_start3A_636, %mul3A_630] : memref<2x320000xi32, #tpu.memory_space<hbm>> -> memref<2x128xi32, #tpu.memory_space<hbm>>
      %dma_start3A_638 = arith.constant 0 : i32
      %dma_start3A_639 = arith.constant 0 : i32
      %dma_start3A_640 = tpu.memref_slice %arg6[%dma_start3A_631, %dma_start3A_638, %dma_start3A_639] : memref<4x2x128xi32, #tpu.memory_space<vmem>> -> memref<1x2x128xi32, #tpu.memory_space<vmem>>
      %dma_start3A_641 = tpu.memref_squeeze %dma_start3A_640 : memref<1x2x128xi32, #tpu.memory_space<vmem>> -> memref<2x128xi32, #tpu.memory_space<vmem>>
      %dma_start3A_642 = arith.constant 0 : i32
      %dma_start3A_643 = tpu.memref_slice %arg3[%dma_start3A_642, %mul3A_630] : memref<2x320000xi32, #tpu.memory_space<hbm>> -> memref<2x128xi32, #tpu.memory_space<hbm>>
      tpu.enqueue_dma source(%dma_start3A_643 : memref<2x128xi32, #tpu.memory_space<hbm>>) target(%dma_start3A_641 : memref<2x128xi32, #tpu.memory_space<vmem>>) target_semaphore(%arg21 : memref<!tpu.dma_semaphore, #tpu.memory_space<semaphore_mem>>)
      %add3A_644 = arith.constant 1 : i32
      %add3A_645 = arith.addi %mul3A_351, %add3A_644 : i32
      %min3A_646 = arith.constant 80 : i32
      %min3A_647 = arith.minsi %add3A_645, %min3A_646 : i32
      %mul3A_648 = arith.constant 32 : i32
      %mul3A_649 = arith.muli %mul3A_648, %min3A_647 : i32
      %add3A_650 = arith.addi %add3A, %mul3A_649 : i32
      %min3A_651 = arith.constant 2499 : i32
      %min3A_652 = arith.minsi %add3A_650, %min3A_651 : i32
      %mul3A_653 = arith.constant 128 : i32
      %mul3A_654 = arith.muli %min3A_652, %mul3A_653 : i32
      %dma_wait3A_655 = arith.constant 1 : i32
      %dma_wait3A_656 = arith.constant 0 : i32
      %dma_wait3A_657 = arith.constant 0 : i32
      %dma_wait3A_658 = tpu.memref_slice %arg6[%dma_wait3A_655, %dma_wait3A_656, %dma_wait3A_657] : memref<4x2x128xi32, #tpu.memory_space<vmem>> -> memref<1x2x128xi32, #tpu.memory_space<vmem>>
      %dma_wait3A_659 = tpu.memref_squeeze %dma_wait3A_658 : memref<1x2x128xi32, #tpu.memory_space<vmem>> -> memref<2x128xi32, #tpu.memory_space<vmem>>
      %dma_wait3A_660 = arith.constant 0 : i32
      %dma_wait3A_661 = tpu.memref_slice %arg3[%dma_wait3A_660, %mul3A_654] : memref<2x320000xi32, #tpu.memory_space<hbm>> -> memref<2x128xi32, #tpu.memory_space<hbm>>
      %dma_wait3A_662 = arith.constant 0 : i32
      %dma_wait3A_663 = arith.constant 0 : i32
      %dma_wait3A_664 = tpu.memref_slice %arg6[%dma_wait3A_655, %dma_wait3A_662, %dma_wait3A_663] : memref<4x2x128xi32, #tpu.memory_space<vmem>> -> memref<1x2x128xi32, #tpu.memory_space<vmem>>
      %dma_wait3A_665 = tpu.memref_squeeze %dma_wait3A_664 : memref<1x2x128xi32, #tpu.memory_space<vmem>> -> memref<2x128xi32, #tpu.memory_space<vmem>>
      %dma_wait3A_666 = arith.constant 0 : i32
      %dma_wait3A_667 = tpu.memref_slice %arg3[%dma_wait3A_666, %mul3A_654] : memref<2x320000xi32, #tpu.memory_space<hbm>> -> memref<2x128xi32, #tpu.memory_space<hbm>>
      tpu.wait_dma2 semaphore(%arg19 : memref<!tpu.dma_semaphore, #tpu.memory_space<semaphore_mem>>) src(%dma_wait3A_667 : memref<2x128xi32, #tpu.memory_space<hbm>>) dst(%dma_wait3A_665 : memref<2x128xi32, #tpu.memory_space<vmem>>)
      %dma_start3A_668 = arith.constant 1 : i32
      %dma_start3A_669 = arith.constant 0 : i32
      %dma_start3A_670 = arith.constant 0 : i32
      %dma_start3A_671 = arith.constant 0 : i32
      %dma_start3A_672 = tpu.memref_slice %arg7[%scan3A_252, %dma_start3A_670, %dma_start3A_671] : memref<2x128x128xf32, #tpu.memory_space<vmem>> -> memref<1x128x128xf32, #tpu.memory_space<vmem>>
      %dma_start3A_673 = tpu.memref_squeeze %dma_start3A_672 : memref<1x128x128xf32, #tpu.memory_space<vmem>> -> memref<128x128xf32, #tpu.memory_space<vmem>>
      %dma_start3A_674 = arith.constant 0 : i32
      %dma_start3A_675 = tpu.memref_slice %arg6[%dma_start3A_668, %dma_start3A_669, %dma_start3A_674] : memref<4x2x128xi32, #tpu.memory_space<vmem>> -> memref<1x1x128xi32, #tpu.memory_space<vmem>>
      %dma_start3A_676 = tpu.memref_squeeze %dma_start3A_675 : memref<1x1x128xi32, #tpu.memory_space<vmem>> -> memref<128xi32, #tpu.memory_space<vmem>>
      %dma_start3A_677 = arith.constant 0 : i32
      %dma_start3A_678 = arith.constant 0 : i32
      %dma_start3A_679 = tpu.memref_slice %arg2[%dma_start3A_677, %dma_start3A_678] : memref<10000x128xf32, #tpu.memory_space<hbm>> -> memref<10000x128xf32, #tpu.memory_space<hbm>>
      tpu.enqueue_indirect_dma source(%dma_start3A_679 : memref<10000x128xf32, #tpu.memory_space<hbm>>) target(%dma_start3A_673 : memref<128x128xf32, #tpu.memory_space<vmem>>) offsets(%dma_start3A_676 : memref<128xi32, #tpu.memory_space<vmem>>) semaphore(%arg13 : memref<!tpu.dma_semaphore, #tpu.memory_space<semaphore_mem>>)
      %scan3A_680 = arith.constant 0 : i32
      scf.yield %scan3A_680 : i32
    }
    %scan3A_259 = arith.constant 20 : i32
    %dma_wait3A_260 = arith.constant 0 : i32
    %dma_wait3A_261 = arith.constant 0 : i32
    %dma_wait3A_262 = arith.constant 0 : i32
    %dma_wait3A_263 = arith.constant 0 : i32
    %dma_wait3A_264 = arith.constant 0 : i32
    %dma_wait3A_265 = tpu.memref_slice %arg7[%dma_wait3A_262, %dma_wait3A_263, %dma_wait3A_264] : memref<2x128x128xf32, #tpu.memory_space<vmem>> -> memref<1x128x128xf32, #tpu.memory_space<vmem>>
    %dma_wait3A_266 = tpu.memref_squeeze %dma_wait3A_265 : memref<1x128x128xf32, #tpu.memory_space<vmem>> -> memref<128x128xf32, #tpu.memory_space<vmem>>
    %dma_wait3A_267 = arith.constant 0 : i32
    %dma_wait3A_268 = tpu.memref_slice %arg6[%dma_wait3A_260, %dma_wait3A_261, %dma_wait3A_267] : memref<4x2x128xi32, #tpu.memory_space<vmem>> -> memref<1x1x128xi32, #tpu.memory_space<vmem>>
    %dma_wait3A_269 = tpu.memref_squeeze %dma_wait3A_268 : memref<1x1x128xi32, #tpu.memory_space<vmem>> -> memref<128xi32, #tpu.memory_space<vmem>>
    %dma_wait3A_270 = arith.constant 0 : i32
    %dma_wait3A_271 = arith.constant 0 : i32
    %dma_wait3A_272 = tpu.memref_slice %arg2[%dma_wait3A_270, %dma_wait3A_271] : memref<10000x128xf32, #tpu.memory_space<hbm>> -> memref<10000x128xf32, #tpu.memory_space<hbm>>
    tpu.wait_indirect_dma semaphore(%arg12 : memref<!tpu.dma_semaphore, #tpu.memory_space<semaphore_mem>>) src(%dma_wait3A_272 : memref<10000x128xf32, #tpu.memory_space<hbm>>) dst(%dma_wait3A_266 : memref<128x128xf32, #tpu.memory_space<vmem>>)
    %gt3A = arith.constant 80 : i32
    %gt3A_273 = arith.cmpi sgt, %add3A_4, %gt3A : i32
    %convert_element_type3A = arith.extui %gt3A_273 : i1 to i32
    %cond3A = arith.constant 0 : i32
    %cond3A_274 = arith.constant 0 : i32
    %cond3A_275 = arith.cmpi ne, %convert_element_type3A, %cond3A_274 : i32
    scf.if %cond3A_275 {
      %dma_start3A_348 = arith.constant 0 : i32
      %dma_start3A_349 = arith.constant 1 : i32
      %dma_start3A_350 = arith.constant 0 : i32
      %dma_start3A_351 = arith.constant 0 : i32
      %dma_start3A_352 = tpu.memref_slice %arg7[%cond3A, %dma_start3A_350, %dma_start3A_351] : memref<2x128x128xf32, #tpu.memory_space<vmem>> -> memref<1x128x128xf32, #tpu.memory_space<vmem>>
      %dma_start3A_353 = tpu.memref_squeeze %dma_start3A_352 : memref<1x128x128xf32, #tpu.memory_space<vmem>> -> memref<128x128xf32, #tpu.memory_space<vmem>>
      %dma_start3A_354 = arith.constant 0 : i32
      %dma_start3A_355 = tpu.memref_slice %arg6[%dma_start3A_348, %dma_start3A_349, %dma_start3A_354] : memref<4x2x128xi32, #tpu.memory_space<vmem>> -> memref<1x1x128xi32, #tpu.memory_space<vmem>>
      %dma_start3A_356 = tpu.memref_squeeze %dma_start3A_355 : memref<1x1x128xi32, #tpu.memory_space<vmem>> -> memref<128xi32, #tpu.memory_space<vmem>>
      %dma_start3A_357 = arith.constant 0 : i32
      %dma_start3A_358 = arith.constant 0 : i32
      %dma_start3A_359 = tpu.memref_slice %arg10[%dma_start3A_357, %dma_start3A_358] : memref<10240x128xf32, #tpu.memory_space<vmem_shared>> -> memref<10240x128xf32, #tpu.memory_space<vmem_shared>>
      tpu.enqueue_indirect_dma source(%dma_start3A_353 : memref<128x128xf32, #tpu.memory_space<vmem>>) target(%dma_start3A_359 : memref<10240x128xf32, #tpu.memory_space<vmem_shared>>) offsets(%dma_start3A_356 : memref<128xi32, #tpu.memory_space<vmem>>) semaphore(%arg14 : memref<!tpu.dma_semaphore, #tpu.memory_space<semaphore_mem>>) {add = true}
      %dma_start3A_360 = arith.constant 0 : i32
      %dma_start3A_361 = arith.constant 1 : i32
      %dma_start3A_362 = arith.constant 0 : i32
      %dma_start3A_363 = tpu.memref_slice %arg6[%dma_start3A_360, %dma_start3A_361, %dma_start3A_362] : memref<4x2x128xi32, #tpu.memory_space<vmem>> -> memref<1x1x128xi32, #tpu.memory_space<vmem>>
      %dma_start3A_364 = tpu.memref_squeeze %dma_start3A_363 : memref<1x1x128xi32, #tpu.memory_space<vmem>> -> memref<128xi32, #tpu.memory_space<vmem>>
      %dma_start3A_365 = arith.constant 0 : i32
      %dma_start3A_366 = tpu.memref_slice %arg11[%dma_start3A_365] : memref<10240xf32, #tpu.memory_space<vmem_shared>> -> memref<10240xf32, #tpu.memory_space<vmem_shared>>
      tpu.enqueue_indirect_dma source(%arg8 : memref<128xf32, #tpu.memory_space<vmem>>) target(%dma_start3A_366 : memref<10240xf32, #tpu.memory_space<vmem_shared>>) offsets(%dma_start3A_364 : memref<128xi32, #tpu.memory_space<vmem>>) semaphore(%arg16 : memref<!tpu.dma_semaphore, #tpu.memory_space<semaphore_mem>>) {add = true}
    } else {
    }
    %dma_wait3A_276 = arith.constant 1 : i32
    %dma_wait3A_277 = arith.constant 0 : i32
    %dma_wait3A_278 = arith.constant 1 : i32
    %dma_wait3A_279 = arith.constant 0 : i32
    %dma_wait3A_280 = arith.constant 0 : i32
    %dma_wait3A_281 = tpu.memref_slice %arg7[%dma_wait3A_278, %dma_wait3A_279, %dma_wait3A_280] : memref<2x128x128xf32, #tpu.memory_space<vmem>> -> memref<1x128x128xf32, #tpu.memory_space<vmem>>
    %dma_wait3A_282 = tpu.memref_squeeze %dma_wait3A_281 : memref<1x128x128xf32, #tpu.memory_space<vmem>> -> memref<128x128xf32, #tpu.memory_space<vmem>>
    %dma_wait3A_283 = arith.constant 0 : i32
    %dma_wait3A_284 = tpu.memref_slice %arg6[%dma_wait3A_276, %dma_wait3A_277, %dma_wait3A_283] : memref<4x2x128xi32, #tpu.memory_space<vmem>> -> memref<1x1x128xi32, #tpu.memory_space<vmem>>
    %dma_wait3A_285 = tpu.memref_squeeze %dma_wait3A_284 : memref<1x1x128xi32, #tpu.memory_space<vmem>> -> memref<128xi32, #tpu.memory_space<vmem>>
    %dma_wait3A_286 = arith.constant 0 : i32
    %dma_wait3A_287 = arith.constant 0 : i32
    %dma_wait3A_288 = tpu.memref_slice %arg2[%dma_wait3A_286, %dma_wait3A_287] : memref<10000x128xf32, #tpu.memory_space<hbm>> -> memref<10000x128xf32, #tpu.memory_space<hbm>>
    tpu.wait_indirect_dma semaphore(%arg13 : memref<!tpu.dma_semaphore, #tpu.memory_space<semaphore_mem>>) src(%dma_wait3A_288 : memref<10000x128xf32, #tpu.memory_space<hbm>>) dst(%dma_wait3A_282 : memref<128x128xf32, #tpu.memory_space<vmem>>)
    %min3A_289 = arith.constant 80 : i32
    %min3A_290 = arith.constant 80 : i32
    %min3A_291 = arith.minsi %min3A_289, %min3A_290 : i32
    %mul3A_292 = arith.constant 32 : i32
    %mul3A_293 = arith.muli %mul3A_292, %min3A_291 : i32
    %add3A_294 = arith.addi %add3A, %mul3A_293 : i32
    %min3A_295 = arith.constant 2499 : i32
    %min3A_296 = arith.minsi %add3A_294, %min3A_295 : i32
    %mul3A_297 = arith.constant 128 : i32
    %mul3A_298 = arith.muli %min3A_296, %mul3A_297 : i32
    %dma_wait3A_299 = arith.constant 2 : i32
    %dma_wait3A_300 = arith.constant 0 : i32
    %dma_wait3A_301 = arith.constant 0 : i32
    %dma_wait3A_302 = tpu.memref_slice %arg6[%dma_wait3A_299, %dma_wait3A_300, %dma_wait3A_301] : memref<4x2x128xi32, #tpu.memory_space<vmem>> -> memref<1x2x128xi32, #tpu.memory_space<vmem>>
    %dma_wait3A_303 = tpu.memref_squeeze %dma_wait3A_302 : memref<1x2x128xi32, #tpu.memory_space<vmem>> -> memref<2x128xi32, #tpu.memory_space<vmem>>
    %dma_wait3A_304 = arith.constant 0 : i32
    %dma_wait3A_305 = tpu.memref_slice %arg3[%dma_wait3A_304, %mul3A_298] : memref<2x320000xi32, #tpu.memory_space<hbm>> -> memref<2x128xi32, #tpu.memory_space<hbm>>
    %dma_wait3A_306 = arith.constant 0 : i32
    %dma_wait3A_307 = arith.constant 0 : i32
    %dma_wait3A_308 = tpu.memref_slice %arg6[%dma_wait3A_299, %dma_wait3A_306, %dma_wait3A_307] : memref<4x2x128xi32, #tpu.memory_space<vmem>> -> memref<1x2x128xi32, #tpu.memory_space<vmem>>
    %dma_wait3A_309 = tpu.memref_squeeze %dma_wait3A_308 : memref<1x2x128xi32, #tpu.memory_space<vmem>> -> memref<2x128xi32, #tpu.memory_space<vmem>>
    %dma_wait3A_310 = arith.constant 0 : i32
    %dma_wait3A_311 = tpu.memref_slice %arg3[%dma_wait3A_310, %mul3A_298] : memref<2x320000xi32, #tpu.memory_space<hbm>> -> memref<2x128xi32, #tpu.memory_space<hbm>>
    tpu.wait_dma2 semaphore(%arg20 : memref<!tpu.dma_semaphore, #tpu.memory_space<semaphore_mem>>) src(%dma_wait3A_311 : memref<2x128xi32, #tpu.memory_space<hbm>>) dst(%dma_wait3A_309 : memref<2x128xi32, #tpu.memory_space<vmem>>)
    %min3A_312 = arith.constant 80 : i32
    %min3A_313 = arith.constant 80 : i32
    %min3A_314 = arith.minsi %min3A_312, %min3A_313 : i32
    %mul3A_315 = arith.constant 32 : i32
    %mul3A_316 = arith.muli %mul3A_315, %min3A_314 : i32
    %add3A_317 = arith.addi %add3A, %mul3A_316 : i32
    %min3A_318 = arith.constant 2499 : i32
    %min3A_319 = arith.minsi %add3A_317, %min3A_318 : i32
    %mul3A_320 = arith.constant 128 : i32
    %mul3A_321 = arith.muli %min3A_319, %mul3A_320 : i32
    %dma_wait3A_322 = arith.constant 3 : i32
    %dma_wait3A_323 = arith.constant 0 : i32
    %dma_wait3A_324 = arith.constant 0 : i32
    %dma_wait3A_325 = tpu.memref_slice %arg6[%dma_wait3A_322, %dma_wait3A_323, %dma_wait3A_324] : memref<4x2x128xi32, #tpu.memory_space<vmem>> -> memref<1x2x128xi32, #tpu.memory_space<vmem>>
    %dma_wait3A_326 = tpu.memref_squeeze %dma_wait3A_325 : memref<1x2x128xi32, #tpu.memory_space<vmem>> -> memref<2x128xi32, #tpu.memory_space<vmem>>
    %dma_wait3A_327 = arith.constant 0 : i32
    %dma_wait3A_328 = tpu.memref_slice %arg3[%dma_wait3A_327, %mul3A_321] : memref<2x320000xi32, #tpu.memory_space<hbm>> -> memref<2x128xi32, #tpu.memory_space<hbm>>
    %dma_wait3A_329 = arith.constant 0 : i32
    %dma_wait3A_330 = arith.constant 0 : i32
    %dma_wait3A_331 = tpu.memref_slice %arg6[%dma_wait3A_322, %dma_wait3A_329, %dma_wait3A_330] : memref<4x2x128xi32, #tpu.memory_space<vmem>> -> memref<1x2x128xi32, #tpu.memory_space<vmem>>
    %dma_wait3A_332 = tpu.memref_squeeze %dma_wait3A_331 : memref<1x2x128xi32, #tpu.memory_space<vmem>> -> memref<2x128xi32, #tpu.memory_space<vmem>>
    %dma_wait3A_333 = arith.constant 0 : i32
    %dma_wait3A_334 = tpu.memref_slice %arg3[%dma_wait3A_333, %mul3A_321] : memref<2x320000xi32, #tpu.memory_space<hbm>> -> memref<2x128xi32, #tpu.memory_space<hbm>>
    tpu.wait_dma2 semaphore(%arg21 : memref<!tpu.dma_semaphore, #tpu.memory_space<semaphore_mem>>) src(%dma_wait3A_334 : memref<2x128xi32, #tpu.memory_space<hbm>>) dst(%dma_wait3A_332 : memref<2x128xi32, #tpu.memory_space<vmem>>)
    %gt3A_335 = arith.constant 80 : i32
    %gt3A_336 = arith.cmpi sgt, %add3A_4, %gt3A_335 : i32
    %convert_element_type3A_337 = arith.extui %gt3A_336 : i1 to i32
    %cond3A_338 = arith.constant 0 : i32
    %cond3A_339 = arith.constant 0 : i32
    %cond3A_340 = arith.cmpi ne, %convert_element_type3A_337, %cond3A_339 : i32
    scf.if %cond3A_340 {
      %dma_wait3A_348 = arith.constant 0 : i32
      %dma_wait3A_349 = arith.constant 1 : i32
      %dma_wait3A_350 = arith.constant 0 : i32
      %dma_wait3A_351 = arith.constant 0 : i32
      %dma_wait3A_352 = tpu.memref_slice %arg7[%cond3A_338, %dma_wait3A_350, %dma_wait3A_351] : memref<2x128x128xf32, #tpu.memory_space<vmem>> -> memref<1x128x128xf32, #tpu.memory_space<vmem>>
      %dma_wait3A_353 = tpu.memref_squeeze %dma_wait3A_352 : memref<1x128x128xf32, #tpu.memory_space<vmem>> -> memref<128x128xf32, #tpu.memory_space<vmem>>
      %dma_wait3A_354 = arith.constant 0 : i32
      %dma_wait3A_355 = tpu.memref_slice %arg6[%dma_wait3A_348, %dma_wait3A_349, %dma_wait3A_354] : memref<4x2x128xi32, #tpu.memory_space<vmem>> -> memref<1x1x128xi32, #tpu.memory_space<vmem>>
      %dma_wait3A_356 = tpu.memref_squeeze %dma_wait3A_355 : memref<1x1x128xi32, #tpu.memory_space<vmem>> -> memref<128xi32, #tpu.memory_space<vmem>>
      %dma_wait3A_357 = arith.constant 0 : i32
      %dma_wait3A_358 = arith.constant 0 : i32
      %dma_wait3A_359 = tpu.memref_slice %arg10[%dma_wait3A_357, %dma_wait3A_358] : memref<10240x128xf32, #tpu.memory_space<vmem_shared>> -> memref<10240x128xf32, #tpu.memory_space<vmem_shared>>
      tpu.wait_indirect_dma semaphore(%arg14 : memref<!tpu.dma_semaphore, #tpu.memory_space<semaphore_mem>>) src(%dma_wait3A_353 : memref<128x128xf32, #tpu.memory_space<vmem>>) dst(%dma_wait3A_359 : memref<10240x128xf32, #tpu.memory_space<vmem_shared>>)
      %dma_wait3A_360 = arith.constant 0 : i32
      %dma_wait3A_361 = arith.constant 1 : i32
      %dma_wait3A_362 = arith.constant 0 : i32
      %dma_wait3A_363 = tpu.memref_slice %arg6[%dma_wait3A_360, %dma_wait3A_361, %dma_wait3A_362] : memref<4x2x128xi32, #tpu.memory_space<vmem>> -> memref<1x1x128xi32, #tpu.memory_space<vmem>>
      %dma_wait3A_364 = tpu.memref_squeeze %dma_wait3A_363 : memref<1x1x128xi32, #tpu.memory_space<vmem>> -> memref<128xi32, #tpu.memory_space<vmem>>
      %dma_wait3A_365 = arith.constant 0 : i32
      %dma_wait3A_366 = tpu.memref_slice %arg11[%dma_wait3A_365] : memref<10240xf32, #tpu.memory_space<vmem_shared>> -> memref<10240xf32, #tpu.memory_space<vmem_shared>>
      tpu.wait_indirect_dma semaphore(%arg16 : memref<!tpu.dma_semaphore, #tpu.memory_space<semaphore_mem>>) src(%arg8 : memref<128xf32, #tpu.memory_space<vmem>>) dst(%dma_wait3A_366 : memref<10240xf32, #tpu.memory_space<vmem_shared>>)
    } else {
    }
    %barrier3A_341 = arith.constant 0 : index
    tpu.barrier barrier_id(%barrier3A_341)
    %mul3A_342 = arith.constant 640 : i32
    %mul3A_343 = arith.muli %arg1, %mul3A_342 : i32
    "tpu.region"() ({
      %run_scoped3A_348 = tpu.sem_alloc : memref<!tpu.dma_semaphore, #tpu.memory_space<semaphore_mem>>
      %dma_start3A_349 = arith.constant 0 : i32
      %dma_start3A_350 = tpu.memref_slice %arg4[%arg0, %mul3A_343, %dma_start3A_349] : memref<2x10240x128xf32, #tpu.memory_space<hbm>> -> memref<1x640x128xf32, #tpu.memory_space<hbm>>
      %dma_start3A_351 = tpu.memref_squeeze %dma_start3A_350 : memref<1x640x128xf32, #tpu.memory_space<hbm>> -> memref<640x128xf32, #tpu.memory_space<hbm>>
      %dma_start3A_352 = arith.constant 0 : i32
      %dma_start3A_353 = tpu.memref_slice %arg10[%mul3A_343, %dma_start3A_352] : memref<10240x128xf32, #tpu.memory_space<vmem_shared>> -> memref<640x128xf32, #tpu.memory_space<vmem_shared>>
      tpu.enqueue_dma source(%dma_start3A_353 : memref<640x128xf32, #tpu.memory_space<vmem_shared>>) target(%dma_start3A_351 : memref<640x128xf32, #tpu.memory_space<hbm>>) target_semaphore(%run_scoped3A_348 : memref<!tpu.dma_semaphore, #tpu.memory_space<semaphore_mem>>)
      %dma_wait3A_354 = arith.constant 0 : i32
      %dma_wait3A_355 = tpu.memref_slice %arg4[%arg0, %mul3A_343, %dma_wait3A_354] : memref<2x10240x128xf32, #tpu.memory_space<hbm>> -> memref<1x640x128xf32, #tpu.memory_space<hbm>>
      %dma_wait3A_356 = tpu.memref_squeeze %dma_wait3A_355 : memref<1x640x128xf32, #tpu.memory_space<hbm>> -> memref<640x128xf32, #tpu.memory_space<hbm>>
      %dma_wait3A_357 = arith.constant 0 : i32
      %dma_wait3A_358 = tpu.memref_slice %arg10[%mul3A_343, %dma_wait3A_357] : memref<10240x128xf32, #tpu.memory_space<vmem_shared>> -> memref<640x128xf32, #tpu.memory_space<vmem_shared>>
      tpu.wait_dma2 semaphore(%run_scoped3A_348 : memref<!tpu.dma_semaphore, #tpu.memory_space<semaphore_mem>>) src(%dma_wait3A_358 : memref<640x128xf32, #tpu.memory_space<vmem_shared>>) dst(%dma_wait3A_356 : memref<640x128xf32, #tpu.memory_space<hbm>>)
      tpu.yield
    }) : () -> ()
    %mul3A_344 = arith.constant 640 : i32
    %mul3A_345 = arith.muli %arg1, %mul3A_344 : i32
    %mul3A_346 = arith.constant 640 : i32
    %mul3A_347 = arith.muli %arg1, %mul3A_346 : i32
    "tpu.region"() ({
      %run_scoped3A_348 = tpu.sem_alloc : memref<!tpu.dma_semaphore, #tpu.memory_space<semaphore_mem>>
      %dma_start3A_349 = tpu.memref_slice %arg5[%arg0, %mul3A_347] : memref<2x10240xf32, #tpu.memory_space<hbm>> -> memref<1x640xf32, #tpu.memory_space<hbm>>
      %dma_start3A_350 = tpu.memref_squeeze %dma_start3A_349 : memref<1x640xf32, #tpu.memory_space<hbm>> -> memref<640xf32, #tpu.memory_space<hbm>>
      %dma_start3A_351 = tpu.memref_slice %arg11[%mul3A_345] : memref<10240xf32, #tpu.memory_space<vmem_shared>> -> memref<640xf32, #tpu.memory_space<vmem_shared>>
      tpu.enqueue_dma source(%dma_start3A_351 : memref<640xf32, #tpu.memory_space<vmem_shared>>) target(%dma_start3A_350 : memref<640xf32, #tpu.memory_space<hbm>>) target_semaphore(%run_scoped3A_348 : memref<!tpu.dma_semaphore, #tpu.memory_space<semaphore_mem>>)
      %dma_wait3A_352 = tpu.memref_slice %arg5[%arg0, %mul3A_347] : memref<2x10240xf32, #tpu.memory_space<hbm>> -> memref<1x640xf32, #tpu.memory_space<hbm>>
      %dma_wait3A_353 = tpu.memref_squeeze %dma_wait3A_352 : memref<1x640xf32, #tpu.memory_space<hbm>> -> memref<640xf32, #tpu.memory_space<hbm>>
      %dma_wait3A_354 = tpu.memref_slice %arg11[%mul3A_345] : memref<10240xf32, #tpu.memory_space<vmem_shared>> -> memref<640xf32, #tpu.memory_space<vmem_shared>>
      tpu.wait_dma2 semaphore(%run_scoped3A_348 : memref<!tpu.dma_semaphore, #tpu.memory_space<semaphore_mem>>) src(%dma_wait3A_354 : memref<640xf32, #tpu.memory_space<vmem_shared>>) dst(%dma_wait3A_353 : memref<640xf32, #tpu.memory_space<hbm>>)
      tpu.yield
    }) : () -> ()
    return
  }
}

module attributes {stable_mosaic.version = 14 : i64} {
  func.func @_msg_body(%arg0: i32, %arg1: memref<2048x128xf32, #tpu.memory_space<vmem>>, %arg2: memref<128x128xf32, #tpu.memory_space<vmem>>, %arg3: memref<1x128xf32, #tpu.memory_space<vmem>>, %arg4: memref<2048x128xf32, #tpu.memory_space<vmem>>) attributes {dimension_semantics = [#tpu.dimension_semantics<arbitrary>], iteration_bounds = array<i64: 5>, scalar_prefetch = 0 : i64, scratch_operands = 0 : i64, tpu.core_type = #tpu.core_type<tc>, window_params = [{transform_indices = @transform_0, window_bounds = array<i64: 2048, 128>}, {pipeline_mode = #tpu.pipeline_mode<synchronous>, transform_indices = @transform_1, window_bounds = array<i64: 128, 128>}, {pipeline_mode = #tpu.pipeline_mode<synchronous>, transform_indices = @transform_2, window_bounds = array<i64: 1, 128>}, {transform_indices = @transform_3, window_bounds = array<i64: 2048, 128>}]} {
    %get3A = arith.constant 0 : index
    %get3A_0 = arith.constant 0 : index
    %get3A_1 = vector.load %arg1[%get3A, %get3A_0] : memref<2048x128xf32, #tpu.memory_space<vmem>>, vector<2048x128xf32>
    %get3A_2 = arith.constant 0 : index
    %get3A_3 = arith.constant 0 : index
    %get3A_4 = vector.load %arg2[%get3A_2, %get3A_3] : memref<128x128xf32, #tpu.memory_space<vmem>>, vector<128x128xf32>
    %dot_general3A = arith.constant dense<0.000000e+00> : vector<2048x128xf32>
    %dot_general3A_5 = tpu.matmul %get3A_1, %get3A_4, %dot_general3A {dimension_numbers = #tpu.dot_dimension_numbers<[1], [0], [0], [1], [0, 0, 1, 1], [], []>, transpose_lhs_hint = false} : vector<2048x128xf32>, vector<128x128xf32>, vector<2048x128xf32> -> vector<2048x128xf32>
    %get3A_6 = arith.constant 0 : index
    %get3A_7 = arith.constant 0 : index
    %get3A_8 = vector.load %arg3[%get3A_6, %get3A_7] : memref<1x128xf32, #tpu.memory_space<vmem>>, vector<1x128xf32>
    %add3A = vector.broadcast %get3A_8 : vector<1x128xf32> to vector<2048x128xf32>
    %add3A_9 = arith.addf %dot_general3A_5, %add3A : vector<2048x128xf32>
    %max3A = arith.constant 0.000000e+00 : f32
    %max3A_10 = vector.broadcast %max3A : f32 to vector<2048x128xf32>
    %max3A_11 = arith.maximumf %add3A_9, %max3A_10 : vector<2048x128xf32>
    %swap3A = arith.constant 0 : index
    %swap3A_12 = arith.constant 0 : index
    %swap3A_13 = vector.load %arg4[%swap3A, %swap3A_12] : memref<2048x128xf32, #tpu.memory_space<vmem>>, vector<2048x128xf32>
    tpu.vector_store %arg4[%swap3A, %swap3A_12], %max3A_11 {strides = array<i32>} : memref<2048x128xf32, #tpu.memory_space<vmem>>, vector<2048x128xf32>,
    return
  }
  func.func @transform_0(%arg0: i32) -> (i32, i32) {
    %c0_i32 = arith.constant 0 : i32
    %c0_i32_0 = arith.constant 0 : i32
    return %arg0, %c0_i32 : i32, i32
  }
  func.func @transform_1(%arg0: i32) -> (i32, i32) {
    %c0_i32 = arith.constant 0 : i32
    %c0_i32_0 = arith.constant 0 : i32
    %c0_i32_1 = arith.constant 0 : i32
    return %c0_i32, %c0_i32_0 : i32, i32
  }
  func.func @transform_2(%arg0: i32) -> (i32, i32) {
    %c0_i32 = arith.constant 0 : i32
    %c0_i32_0 = arith.constant 0 : i32
    %c0_i32_1 = arith.constant 0 : i32
    return %c0_i32, %c0_i32_0 : i32, i32
  }
  func.func @transform_3(%arg0: i32) -> (i32, i32) {
    %c0_i32 = arith.constant 0 : i32
    %c0_i32_0 = arith.constant 0 : i32
    return %arg0, %c0_i32 : i32, i32
  }
}

module attributes {stable_mosaic.version = 14 : i64} {
  func.func @_out_body(%arg0: i32, %arg1: memref<2x2048x128xf32, #tpu.memory_space<vmem>>, %arg2: memref<2048x2xf32, #tpu.memory_space<vmem>>, %arg3: memref<2048x128xf32, #tpu.memory_space<vmem>>, %arg4: memref<128x128xf32, #tpu.memory_space<vmem>>, %arg5: memref<1x128xf32, #tpu.memory_space<vmem>>, %arg6: memref<2048x128xf32, #tpu.memory_space<vmem>>) attributes {dimension_semantics = [#tpu.dimension_semantics<arbitrary>], iteration_bounds = array<i64: 5>, scalar_prefetch = 0 : i64, scratch_operands = 0 : i64, tpu.core_type = #tpu.core_type<tc>, window_params = [{transform_indices = @transform_0, window_bounds = array<i64: 2, 2048, 128>}, {transform_indices = @transform_1, window_bounds = array<i64: 2048, 2>}, {transform_indices = @transform_2, window_bounds = array<i64: 2048, 128>}, {pipeline_mode = #tpu.pipeline_mode<synchronous>, transform_indices = @transform_3, window_bounds = array<i64: 128, 128>}, {pipeline_mode = #tpu.pipeline_mode<synchronous>, transform_indices = @transform_4, window_bounds = array<i64: 1, 128>}, {transform_indices = @transform_5, window_bounds = array<i64: 2048, 128>}]} {
    %get3A = arith.constant 0 : index
    %get3A_0 = arith.constant 0 : index
    %get3A_1 = arith.constant 0 : index
    %get3A_2 = vector.load %arg1[%get3A, %get3A_0, %get3A_1] : memref<2x2048x128xf32, #tpu.memory_space<vmem>>, vector<1x2048x128xf32>
    %get3A_3 = vector.shape_cast %get3A_2 : vector<1x2048x128xf32> to vector<2048x128xf32>
    %get3A_4 = arith.constant 1 : index
    %get3A_5 = arith.constant 0 : index
    %get3A_6 = arith.constant 0 : index
    %get3A_7 = vector.load %arg1[%get3A_4, %get3A_5, %get3A_6] : memref<2x2048x128xf32, #tpu.memory_space<vmem>>, vector<1x2048x128xf32>
    %get3A_8 = vector.shape_cast %get3A_7 : vector<1x2048x128xf32> to vector<2048x128xf32>
    %add3A = arith.addf %get3A_3, %get3A_8 : vector<2048x128xf32>
    %get3A_9 = arith.constant 0 : index
    %get3A_10 = arith.constant 0 : index
    %get3A_11 = vector.load %arg2[%get3A_9, %get3A_10] : memref<2048x2xf32, #tpu.memory_space<vmem>>, vector<2048x1xf32>
    %get3A_12 = vector.shape_cast %get3A_11 : vector<2048x1xf32> to vector<2048xf32>
    %get3A_13 = arith.constant 0 : index
    %get3A_14 = arith.constant 1 : index
    %get3A_15 = vector.load %arg2[%get3A_13, %get3A_14] : memref<2048x2xf32, #tpu.memory_space<vmem>>, vector<2048x1xf32>
    %get3A_16 = vector.shape_cast %get3A_15 : vector<2048x1xf32> to vector<2048xf32>
    %add3A_17 = arith.addf %get3A_12, %get3A_16 : vector<2048xf32>
    %gt3A = arith.constant 0.000000e+00 : f32
    %gt3A_18 = vector.broadcast %gt3A : f32 to vector<2048xf32>
    %gt3A_19 = arith.cmpf ogt, %add3A_17, %gt3A_18 : vector<2048xf32>
    %broadcast_in_dim3A = vector.shape_cast %gt3A_19 : vector<2048xi1> to vector<2048x1xi1>
    %get3A_20 = arith.constant 0 : index
    %get3A_21 = arith.constant 0 : index
    %get3A_22 = vector.load %arg3[%get3A_20, %get3A_21] : memref<2048x128xf32, #tpu.memory_space<vmem>>, vector<2048x128xf32>
    %broadcast_in_dim3A_23 = vector.shape_cast %broadcast_in_dim3A : vector<2048x1xi1> to vector<2048x1xi1>
    %broadcast_in_dim3A_24 = vector.broadcast %broadcast_in_dim3A_23 : vector<2048x1xi1> to vector<2048x128xi1>
    %select_n3A = arith.select %broadcast_in_dim3A_24, %add3A, %get3A_22 : vector<2048x128xi1>, vector<2048x128xf32>
    %get3A_25 = arith.constant 0 : index
    %get3A_26 = arith.constant 0 : index
    %get3A_27 = vector.load %arg4[%get3A_25, %get3A_26] : memref<128x128xf32, #tpu.memory_space<vmem>>, vector<128x128xf32>
    %dot_general3A = arith.constant dense<0.000000e+00> : vector<2048x128xf32>
    %dot_general3A_28 = tpu.matmul %select_n3A, %get3A_27, %dot_general3A {dimension_numbers = #tpu.dot_dimension_numbers<[1], [0], [0], [1], [0, 0, 1, 1], [], []>, transpose_lhs_hint = false} : vector<2048x128xf32>, vector<128x128xf32>, vector<2048x128xf32> -> vector<2048x128xf32>
    %get3A_29 = arith.constant 0 : index
    %get3A_30 = arith.constant 0 : index
    %get3A_31 = vector.load %arg5[%get3A_29, %get3A_30] : memref<1x128xf32, #tpu.memory_space<vmem>>, vector<1x128xf32>
    %add3A_32 = vector.broadcast %get3A_31 : vector<1x128xf32> to vector<2048x128xf32>
    %add3A_33 = arith.addf %dot_general3A_28, %add3A_32 : vector<2048x128xf32>
    %swap3A = arith.constant 0 : index
    %swap3A_34 = arith.constant 0 : index
    %swap3A_35 = vector.load %arg6[%swap3A, %swap3A_34] : memref<2048x128xf32, #tpu.memory_space<vmem>>, vector<2048x128xf32>
    tpu.vector_store %arg6[%swap3A, %swap3A_34], %add3A_33 {strides = array<i32>} : memref<2048x128xf32, #tpu.memory_space<vmem>>, vector<2048x128xf32>,
    return
  }
  func.func @transform_0(%arg0: i32) -> (i32, i32, i32) {
    %c0_i32 = arith.constant 0 : i32
    %c0_i32_0 = arith.constant 0 : i32
    %c0_i32_1 = arith.constant 0 : i32
    return %c0_i32, %arg0, %c0_i32_0 : i32, i32, i32
  }
  func.func @transform_1(%arg0: i32) -> (i32, i32) {
    %c0_i32 = arith.constant 0 : i32
    %c0_i32_0 = arith.constant 0 : i32
    return %arg0, %c0_i32 : i32, i32
  }
  func.func @transform_2(%arg0: i32) -> (i32, i32) {
    %c0_i32 = arith.constant 0 : i32
    %c0_i32_0 = arith.constant 0 : i32
    return %arg0, %c0_i32 : i32, i32
  }
  func.func @transform_3(%arg0: i32) -> (i32, i32) {
    %c0_i32 = arith.constant 0 : i32
    %c0_i32_0 = arith.constant 0 : i32
    %c0_i32_1 = arith.constant 0 : i32
    return %c0_i32, %c0_i32_0 : i32, i32
  }
  func.func @transform_4(%arg0: i32) -> (i32, i32) {
    %c0_i32 = arith.constant 0 : i32
    %c0_i32_0 = arith.constant 0 : i32
    %c0_i32_1 = arith.constant 0 : i32
    return %c0_i32, %c0_i32_0 : i32, i32
  }
  func.func @transform_5(%arg0: i32) -> (i32, i32) {
    %c0_i32 = arith.constant 0 : i32
    %c0_i32_0 = arith.constant 0 : i32
    return %arg0, %c0_i32 : i32, i32
  }
}

</mosaic_0001>

<sc_bundles>
// kernel: kernel.5.cloned.1.call-start
scs
__scs_entry_jumppad:
0x0: {  	(pc) =	sbr.rel $0x88, $3  }
0x1: {  	(tag) =	ssettag $0x0;
	lr =	simm.s32 $0x1  }
0x2: {  	[smem:$0x3F9B] =	sst lr;
	_ =	strace $0xD0000000  }
0x3: {  	_ = 	snop  }
0x4: {  	_ = 	snop  }
0x5: {  	_ = 	snop  }
0x6: {  	_ = 	snop  }
0x7: {  	_ = 	snop  }
__scs_overlays_trampoline_lowered:
0x8: {  	[smem:$0x3FAA] =	sst s0  }
0x9: {  	[smem:$0x3FAB] =	sst s1  }
0xa: {  	[smem:$0x3FAC] =	sst s2  }
0xb: {  	[smem:$0x3FAD] =	sst s3  }
0xc: {  	[smem:$0x3FAE] =	sst s4  }
0xd: {  	[smem:$0x3FAF] =	sst s5  }
0xe: {  	[smem:$0x3FB0] =	sst s6  }
0xf: {  	[smem:$0x3FB1] =	sst s7  }
0x10: {  	[smem:$0x3FB2] =	sst s8  }
0x11: {  	[smem:$0x3FB3] =	sst s9;
	s0 =	simm.s32 @!p0 $0x0  }
0x12: {  	s1 =	sld [smem:$0x3F99];
	s0 =	simm.s32 @p0 $0x1  }
0x13: {  	[smem:$0x3FB4] =	sst s0;
	s0 =	simm.s32 @!p1 $0x0  }
0x14: {  	s2 =	sld [smem:$0x3F98];
	s0 =	simm.s32 @p1 $0x1  }
0x15: {  	[smem:$0x3FB5] =	sst s0;
	s0 =	simm.s32 @!p2 $0x0  }
0x16: {  	s3 =	sld [smem:$0x3FDB];
	s0 =	simm.s32 @p2 $0x1  }
0x17: {  	s4 =	simm.s32 $0x1BF5;
	[smem:$0x3FB7] =	sst s0  }
0x18: {  	s0 =	sld [smem:$0x3F9A];
	_ =	swait.ge [sflag:s4], $0x0  }
0x19: {  	s7 =	sld [smem:$0x3F9B]  }
0x1a: {  	s8 =	sadd.s32 $0xFFFFE003, lr  }
0x1b: {  	s9 =	sadd.s32 $0xFFFFFEF7, lr;
	s5 =	simm.s32 $0xFFFFFFFF;
	p2 =	slt.u32 s8, $0xFFFFF086  }
0x1c: {  	p1 =	slt.u32 s9, $0xF7A;
	s5 =	simm.s32 @!p2 $0x0  }
0x1d: {  	s5 =	simm.s32 @p1 $0x1;
	p0 =	seq.s32 s7, s2  }
0x1e: {  	s7 =	smul.u32 @!p0 $0xF7A, s2;
	p2 =	seq.s32 @!p0 s5, $0x0  }
0x1f: {  	s9 =	smul.u32 $0xF7A, s1;
	s8 =	simm.s32 @!p0 $0x1BF5;
	p2 =	por !p2, p0  }
0x20: {  	[sflag:s8] =	ssyncset.s32 @!p0 $0xFFFFF086;
	s6 =	sadd.s32 @!p0 s3, s7;
	s7 =	simm.s32 @!p0 $0x108  }
0x21: {  	s3 =	sadd.s32 s3, s9;
	s6 =	sadd.s32 @!p0 $0x88, s6;
	s7 =	simm.s32 @p2 $0x1082  }
0x22: {  	[simem:s7], [sflag:s8] =	dma.local @!p0 [hbm:s6], $0xF7A  }
0x23: {  	s9 =	sor.u32 $0xD0000000, s2;
	s6 =	simm.s32 $0x108;
	_ =	swait.ge @!p0 [sflag:s8], $0x0  }
0x24: {  	s3 =	sadd.s32 $0x88, s3;
	s6 =	simm.s32 @!p1 $0x1082;
	[sflag:s4] =	ssyncset.s32 $0xFFFFF086  }
0x25: {  	[simem:s6], [sflag:s4] =	dma.local [hbm:s3], $0xF7A  }
0x26: {  	[smem:$0x3F9B] =	sst s1;
	(tag) =	ssettag s2;
	_ =	strace s9  }
0x27: {  	s1 =	sld [smem:$0x3FAB]  }
0x28: {  	s2 =	sld [smem:$0x3FAC]  }
0x29: {  	s4 =	sld [smem:$0x3FAE]  }
0x2a: {  	p0 =	seq.s32 s5, $0x0;
	s5 =	sld [smem:$0x3FAF]  }
0x2b: {  	s6 =	sld [smem:$0x3FB0]  }
0x2c: {  	s7 =	sld [smem:$0x3FB1]  }
0x2d: {  	s3 =	simm.s32 $0x108;
	s8 =	sld [smem:$0x3FB2]  }
0x2e: {  	s3 =	simm.s32 @!p0 $0x1082;
	s9 =	sld [smem:$0x3FB3]  }
0x2f: {  	lr =	sadd.s32 s0, s3;
	s0 =	sld [smem:$0x3FAA]  }
0x30: {  	s3 =	sld [smem:$0x3FAD]  }
0x31: {  	[smem:$0x3FB6] =	sst s10  }
0x32: {  	s10 =	sld [smem:$0x3FB4];
	_ =	sdelay $0x3  }
0x33: {  	p0 =	seq.s32 s10, $0x1;
	s10 =	sld [smem:$0x3FB6];
	_ =	sdelay $0x3  }
0x34: {  	[smem:$0x3FB6] =	sst s10  }
0x35: {  	s10 =	sld [smem:$0x3FB5];
	_ =	sdelay $0x3  }
0x36: {  	p1 =	seq.s32 s10, $0x1;
	s10 =	sld [smem:$0x3FB6];
	_ =	sdelay $0x3  }
0x37: {  	[smem:$0x3FB6] =	sst s10  }
0x38: {  	s10 =	sld [smem:$0x3FB7]  }
0x39: {  	_ = 	snop;
	(pc) =	sbr.ind lr, $3  }
0x3a: {  	_ = 	snop  }
0x3b: {  	_ = 	snop  }
0x3c: {  	p2 =	seq.s32 s10, $0x1;
	s10 =	sld [smem:$0x3FB6]  }
0x3d: {  	_ =	shalt  }
0x3e: {  	_ =	shalt  }
0x3f: {  	_ =	shalt  }
0x40: {  	_ =	shalt  }
0x41: {  	_ =	shalt  }
0x42: {  	_ =	shalt  }
0x43: {  	_ =	shalt  }
0x44: {  	_ =	shalt  }
0x45: {  	_ =	shalt  }
0x46: {  	_ =	shalt  }
0x47: {  	_ =	shalt  }
0x48: {  	_ =	shalt  }
0x49: {  	_ =	shalt  }
0x4a: {  	_ =	shalt  }
0x4b: {  	_ =	shalt  }
0x4c: {  	_ =	shalt  }
0x4d: {  	_ =	shalt  }
0x4e: {  	_ =	shalt  }
0x4f: {  	_ =	shalt  }
0x50: {  	_ =	shalt  }
0x51: {  	_ =	shalt  }
0x52: {  	_ =	shalt  }
0x53: {  	_ =	shalt  }
0x54: {  	_ =	shalt  }
0x55: {  	_ =	shalt  }
0x56: {  	_ =	shalt  }
0x57: {  	_ =	shalt  }
0x58: {  	_ =	shalt  }
0x59: {  	_ =	shalt  }
0x5a: {  	_ =	shalt  }
0x5b: {  	_ =	shalt  }
0x5c: {  	_ =	shalt  }
0x5d: {  	_ =	shalt  }
0x5e: {  	_ =	shalt  }
0x5f: {  	_ =	shalt  }
0x60: {  	_ =	shalt  }
0x61: {  	_ =	shalt  }
0x62: {  	_ =	shalt  }
0x63: {  	_ =	shalt  }
0x64: {  	_ =	shalt  }
0x65: {  	_ =	shalt  }
0x66: {  	_ =	shalt  }
0x67: {  	_ =	shalt  }
0x68: {  	_ =	shalt  }
0x69: {  	_ =	shalt  }
0x6a: {  	_ =	shalt  }
0x6b: {  	_ =	shalt  }
0x6c: {  	_ =	shalt  }
0x6d: {  	_ =	shalt  }
0x6e: {  	_ =	shalt  }
0x6f: {  	_ =	shalt  }
0x70: {  	_ =	shalt  }
0x71: {  	_ =	shalt  }
0x72: {  	_ =	shalt  }
0x73: {  	_ =	shalt  }
0x74: {  	_ =	shalt  }
0x75: {  	_ =	shalt  }
0x76: {  	_ =	shalt  }
0x77: {  	_ =	shalt  }
0x78: {  	_ =	shalt  }
0x79: {  	_ =	shalt  }
0x7a: {  	_ =	shalt  }
0x7b: {  	_ =	shalt  }
0x7c: {  	_ =	shalt  }
0x7d: {  	_ =	shalt  }
0x7e: {  	_ =	shalt  }
0x7f: {  	_ =	shalt  }
0x80: {  	_ =	shalt  }
0x81: {  	_ =	shalt  }
0x82: {  	_ =	shalt  }
0x83: {  	_ =	shalt  }
0x84: {  	_ =	shalt  }
0x85: {  	_ =	shalt  }
0x86: {  	_ =	shalt  }
0x87: {  	_ =	shalt  }
.Lfunc_end0:
.L_simem_size_0:
called_computation_lowered:
.L_overlay_start_0:
0x88: {  	s2 =	sld [smem:$0x3FD9]  }
0x89: {  	s3 =	sld [smem:$0x3FFE];
	_ =	sdelay $0x1  }
0x8a: {  	s1 =	srdreg.scid  }
0x8b: {  	s0 =	sand.u32 $0x1, s1  }
0x8c: {  	s17 =	sshll.u32 s0, $0xA;
	s2 =	sadd.s32 s3, s2  }
0x8d: {  	s2 =	sadd.s32 s2, s17  }
0x8e: {  	[smem:$0x3FC2] =	sst s2  }
0x8f: {  	_ = 	snop  }
0x90: {  	s2 =	sld [smem:$0x3FC8]  }
0x91: {  	s18 =	sld [smem:$0x3FD0];
	(tm) =	ssettm $0x1  }
0x92: {  	s4 =	sld [smem:$0x3FFB];
	_ =	sdelay $0x3  }
0x93: {  	_ =	strace s4  }
0x94: {  	s4 =	sld [smem:$0x3FFC];
	_ =	sdelay $0x3  }
0x95: {  	_ =	strace s4  }
0x96: {  	s4 =	sld [smem:$0x3FFD];
	_ =	sdelay $0x3  }
0x97: {  	_ =	strace s4  }
0x98: {  	_ =	strace $0x8FFFFFFF  }
0x99: {  	s19 =	sld [smem:$0x3FDB];
	_ =	sdelay $0x1  }
0x9a: {  	s5 =	simm.s32 $_scs_section_size  }
0x9b: {  	s6 =	simm.s32 $_size__tile_overlayer_lowered;
	s7 =	simm.s32 $_tile_overlayer_lowered  }
0x9c: {  	s22 =	simm.s32 $0x1BFF;
	s21 =	sshll.u32 s7, $0x1;
	s4 =	sadd.s32 s5, s19  }
0x9d: {  	s8 =	simm.s32 $0x0;
	s20 =	sshll.u32 s6, $0x1;
	s6 =	sadd.s32 s21, s4  }
0x9e: {  	[timem:s8], [sflag:s22] =	dma.local [hbm:s6], s20  }
0x9f: {  	_ =	swait.ge [sflag:s22], s20  }
0xa0: {  	s5 =	ssub.s32 $0x0, s20;
	[sflag:s22] =	ssyncset.done $0x0  }
0xa1: {  	[sflag:s22] =	ssyncadd.s32 s5;
	_ =	sdelay $0x1  }
0xa2: {  	s23 =	simm.s32 $0x1B8B  }
0xa3: {  	_ =	swait.ge [sflag:s23], $0x1  }
0xa4: {  	[sflag:s23] =	ssyncset.done $0x0  }
0xa5: {  	s25 =	simm.s32 $0x1B8E;
	s24 =	sld [smem:$0x3FFE];
	[sflag:s23] =	ssyncadd.s32 $0xFFFFFFFF  }
0xa6: {  	s26 =	simm.s32 $execute0_lowered;
	[smem:$0x3FD2] =	sst s25  }
0xa7: {  	s6 =	sshll.u32 s26, $0x1;
	_ =	strace $0x80000046;
	[dreg:$0x1] =	wrdreg $0xFFFFFFFF  }
0xa8: {  	s28 =	simm.s32 $_size_execute0_lowered;
	s4 =	sadd.s32 s4, s6;
	[dreg:$0x0] =	wrdreg $0x0  }
0xa9: {  	s6 =	sshll.u32 s28, $0x1;
	[dreg:$0x2] =	wrdreg s4  }
0xaa: {  	[dreg:$0x3] =	wrdreg s6  }
0xab: {  	[dreg:$0x4] =	wrdreg $0xC0  }
0xac: {  	_ =	task [dreg:s8], $0x5FFFF  }
0xad: {  	[dreg:$0x1] =	wrdreg $0xFFFFFFFF  }
0xae: {  	[dreg:$0x0] =	wrdreg $0x60  }
0xaf: {  	[dreg:$0x2] =	wrdreg s18  }
0xb0: {  	[dreg:$0x3] =	wrdreg s2  }
0xb1: {  	[dreg:$0x4] =	wrdreg s24  }
0xb2: {  	[dreg:$0x5] =	wrdreg $0x87000  }
0xb3: {  	[dreg:$0x6] =	wrdreg $0x1C7000  }
0xb4: {  	[dreg:$0x7] =	wrdreg $0x9  }
0xb5: {  	_ =	task.clear_ibuf [dreg:s8], $0x8FFFF;
	_ =	strace $0x90000046  }
0xb6: {  	s29 =	simm.s32 $0x9;
	_ =	strace $0x80000048  }
0xb7: {  	_ =	swait.ge [sflag:s29], $0x1  }
0xb8: {  	[sflag:s29] =	ssyncadd.s32 $0xFFFFFFFF  }
0xb9: {  	_ =	strace $0x90000048  }
0xba: {  	_ =	sfence  }
0xbb: {  	s30 =	sld [smem:$0x0];
	_ =	sdelay $0x2  }
0xbc: {  	s31 =	sshll.u32 s1, $0xD;
	s1 =	sshrl.u32 s1, $0x2  }
0xbd: {  	s3 =	sand.u32 $0x4000, s31;
	s1 =	sadd.s32 s1, s30  }
0xbe: {  	s0 =	sor.u32 s3, s0;
	s1 =	sshll.u32 s1, $0x11  }
0xbf: {  	s0 =	sor.u32 s1, s0  }
0xc0: {  	s0 =	sadd.s32 $0x8F2B, s0  }
0xc1: {  	[sflag:s0] =	ssyncadd.remote.s32 $0x1  }
0xc2: {  	_ =	sfence.sel $0xFFFF  }
0xc3: {  	[dreg:$0x0] =	wrdreg $0xFFFFFFFF;
	(pc) =	sbr.abs _section_cstart, $3  }
0xc4: {  	[dreg:$0x1] =	wrdreg $0xFFFFFFFF  }
0xc5: {  	_ =	task.clear_ibuf [dreg:s8], $0x2FFFF;
	_ =	strace $0x9FFFFFFF  }
0xc6: {  	(tm) =	ssettm $0x7FFFFFFF  }
0xc7: {  	_ =	shalt  }
tec
execute0_lowered:
.L_overlay_start_1:
0x0: {  	(tag) =	ssettag $0x1  }
0x1: {  	s0 =	rddreg [dreg:$0x0]  }
0x2: {  	s1 =	rddreg [dreg:$0x1]  }
0x3: {  	s2 =	rddreg [dreg:$0x2];
	s3 =	srdreg.scid  }
0x4: {  	s4 =	rddreg [dreg:$0x3];
	s12 =	stileid.u32  }
0x5: {  	s5 =	rddreg [dreg:$0x4];
	s8 =	smul.u32 $0x14000, s12  }
0x6: {  	s6 =	simm.s32 $0x0;
	s28 =	simm.s32 $0x7;
	s9 =	smul.u32 $0x500, s12  }
0x7: {  	s29 =	simm.s32 $0x80;
	s30 =	simm.s32 $0x8;
	s11 =	smul.u32 $0x50000, s12  }
0x8: {  	s31 =	simm.s32 $0x4400;
	s3 =	sand.u32 $0x1, s3;
	s26 =	smul.u32 $0xA00, s12  }
0x9: {  	[smem:$0x7FF] =	sst s6;
	s7 =	smul.u32 $0x140000, s3;
	s22 =	sshll.u32 s3, $0x7  }
0xa: {  	_ =	strace $0x80000047;
	s24 =	ssub.s32 $0x2, s3;
	s3 =	sshll.u32 s3, $0x4  }
0xb: {  	s10 =	sshrl.u32 s24, $0x1;
	s3 =	sor.u32 s12, s3;
	s25 =	sshrl.u32 s11, $0x2  }
0xc: {  	s11 =	sshrl.u32 s26, $0x2;
	s7 =	sadd.s32 s8, s7;
	s8 =	sor.u32 s22, s9  }
0xd: {  	p0 =	slt.u32 s3, $0x4;
	s17 =	sadd.s32 s25, s4;
	s20 =	sor.u32 $0xC0, s3  }
0xe: {  	s19 =	sadd.s32 s11, s5;
	s22 =	sor.u32 $0xE0, s3;
	[dreg:$0x9] =	wrdreg s20  }
0xf: {  	s16 =	sshll.u32 s3, $0x5;
	s26 =	sor.u32 $0x80, s3;
	[dreg:$0xa] =	wrdreg s22  }
0x10: {  	s11 =	simm.s32 $0x9;
	s7 =	sshrl.u32 s7, $0x3;
	[dreg:$0x18] =	wrdreg s26  }
0x11: {  	s23 =	sshrl.u32 s8, $0x3;
	s8 =	ssub.s32 s24, s10;
	[dreg:$0xb] =	wrdreg s17  }
0x12: {  	s10 =	simm.s32 $0x4F;
	s12 =	sadd.s32 $0x8000, s17;
	[dreg:$0x10] =	wrdreg s19  }
0x13: {  	s13 =	sadd.s32 $0xC000, s17;
	s14 =	sadd.s32 $0x10000, s17;
	[dreg:$0xd] =	wrdreg s12  }
0x14: {  	s18 =	sadd.s32 s1, s16;
	s22 =	simm.s32 $0xB;
	[dreg:$0xe] =	wrdreg s13  }
0x15: {  	s26 =	simm.s32 $0x300;
	s16 =	simm.s32 $0xA;
	[dreg:$0xf] =	wrdreg s14  }
0x16: {  	s9 =	sadd.s32 s7, s2;
	s7 =	sadd.s32 $0x4000, s17;
	[dreg:$0x11] =	wrdreg s18  }
0x17: {  	s2 =	sadd.s32 s23, s2;
	s13 =	sor.u32 $0xA0, s3;
	[dreg:$0xc] =	wrdreg s7  }
0x18: {  	s10 =	simm.s32 @!p0 $0x4E;
	s21 =	sadd.s32 $0x400, s18;
	[dreg:$0x6] =	wrdreg s13  }
0x19: {  	s23 =	sadd.s32 $0x800, s18;
	s25 =	smax.u32 s8, $0x1;
	[dreg:$0x12] =	wrdreg s21  }
0x1a: {  	s3 =	simm.s32 $0x1;
	s8 =	simm.s32 $0x180;
	[dreg:$0x13] =	wrdreg s23  }
0x1b: {  	s14 =	simm.s32 $0x4;
	s15 =	sadd.s32 $0xFFFFFFFE, s10;
	[dreg:$0x17] =	wrdreg s25  }
0x1c: {  	s12 =	simm.s32 $0x0;
	s10 =	sadd.s32 $0xFFFFFFFD, s10;
	[dreg:$0x7] =	wrdreg s15  }
0x1d: {  	s7 =	sadd.s32 $0xC00, s18;
	s24 =	sadd.s32 $0x2600, s9;
	[dreg:$0x8] =	wrdreg s10  }
0x1e: {  	s2 =	sadd.s32 $0x1C00, s2;
	s21 =	simm.s32 $0x400;
	[dreg:$0x14] =	wrdreg s7  }
0x1f: {  	s25 =	simm.s32 $0x200;
	s23 =	simm.s32 $0x8400;
	[dreg:$0x15] =	wrdreg s24  }
0x20: {  	s9 =	simm.s32 $0x3;
	[dreg:$0x16] =	wrdreg s2;
	s24 =	simm.s32 $0x100  }
0x21: {  	v0 =	vimm.f32 $1.000000000e+00;
	v1 =	vimm.f32 $0.0e+00;
	s2 =	simm.s32 $0x2;
	s10 =	simm.s32 $0x5;
	s15 =	simm.s32 $0x6  }
.LBB2_1:
0x22: {  	[tilespmem:$0x8400] =	vst v0  }
0x23: {  	[tilespmem:$0x8410] =	vst v0  }
0x24: {  	[tilespmem:$0x8420] =	vst v0  }
0x25: {  	[tilespmem:$0x8430] =	vst v0  }
0x26: {  	[tilespmem:$0x8440] =	vst v0  }
0x27: {  	[tilespmem:$0x8450] =	vst v0  }
0x28: {  	[tilespmem:$0x8460] =	vst v0  }
0x29: {  	[dreg:$0x19] =	wrdreg s12;
	[tilespmem:$0x8470] =	vst v0;
	s13 =	simm.s32 $0x0;
	s18 =	simm.s32 $0x200  }
.LBB2_2:
0x2a: {  	p0 =	sne.s32 s18, $0xFE00;
	[tilespmem:s13+$0x470] =	vst v1  }
0x2b: {  	[tilespmem:s13+$0x400] =	vst v1  }
0x2c: {  	[tilespmem:s13+$0x410] =	vst v1  }
.Ltmp0:
0x2d: {  	[tilespmem:s13+$0x420] =	vst v1;
	(pc) =	sbr.rel @p0 .LBB2_2-.Ltmp0, $4  }
0x2e: {  	[tilespmem:s13+$0x430] =	vst v1  }
0x2f: {  	[tilespmem:s13+$0x440] =	vst v1  }
0x30: {  	[tilespmem:s13+$0x450] =	vst v1  }
0x31: {  	[tilespmem:s13+$0x460] =	vst v1;
	s13 =	sshra.s32 s18, $0x2;
	s18 =	sadd.s32 $0x200, s18  }
0x32: {  	[tilespmem:s13+$0x470] =	vst v1  }
0x33: {  	[tilespmem:s13+$0x400] =	vst v1  }
0x34: {  	[tilespmem:s13+$0x410] =	vst v1  }
0x35: {  	[tilespmem:s13+$0x420] =	vst v1  }
0x36: {  	[tilespmem:s13+$0x430] =	vst v1  }
0x37: {  	[tilespmem:s13+$0x440] =	vst v1  }
0x38: {  	[tilespmem:s13+$0x450] =	vst v1  }
0x39: {  	[tilespmem:s13+$0x460] =	vst v1  }
0x3a: {  	[tilespmem:$0x8480] =	vst v1  }
0x3b: {  	[tilespmem:$0x8490] =	vst v1  }
0x3c: {  	[tilespmem:$0x84A0] =	vst v1  }
0x3d: {  	[tilespmem:$0x84B0] =	vst v1  }
0x3e: {  	[tilespmem:$0x84C0] =	vst v1  }
0x3f: {  	[tilespmem:$0x84D0] =	vst v1  }
0x40: {  	[tilespmem:$0x84E0] =	vst v1  }
0x41: {  	[tilespmem:$0x84F0] =	vst v1  }
0x42: {  	[tilespmem:$0x8500] =	vst v1  }
0x43: {  	[tilespmem:$0x8510] =	vst v1  }
0x44: {  	[tilespmem:$0x8520] =	vst v1  }
0x45: {  	[tilespmem:$0x8530] =	vst v1  }
0x46: {  	[tilespmem:$0x8540] =	vst v1  }
0x47: {  	[tilespmem:$0x8550] =	vst v1  }
0x48: {  	[tilespmem:$0x8560] =	vst v1  }
0x49: {  	[tilespmem:$0x8570] =	vst v1  }
0x4a: {  	[tilespmem:$0x8580] =	vst v1  }
0x4b: {  	[tilespmem:$0x8590] =	vst v1  }
0x4c: {  	[tilespmem:$0x85A0] =	vst v1  }
0x4d: {  	[tilespmem:$0x85B0] =	vst v1  }
0x4e: {  	[tilespmem:$0x85C0] =	vst v1  }
0x4f: {  	[tilespmem:$0x85D0] =	vst v1  }
0x50: {  	[tilespmem:$0x85E0] =	vst v1  }
0x51: {  	[tilespmem:$0x85F0] =	vst v1  }
0x52: {  	[tilespmem:$0x8600] =	vst v1  }
0x53: {  	[tilespmem:$0x8610] =	vst v1  }
0x54: {  	[tilespmem:$0x8620] =	vst v1  }
0x55: {  	[tilespmem:$0x8630] =	vst v1  }
0x56: {  	[tilespmem:$0x8640] =	vst v1  }
0x57: {  	[tilespmem:$0x8650] =	vst v1  }
0x58: {  	[tilespmem:$0x8660] =	vst v1  }
0x59: {  	[tilespmem:$0x8670] =	vst v1  }
0x5a: {  	[tilespmem:$0x8680] =	vst v1  }
0x5b: {  	[tilespmem:$0x8690] =	vst v1  }
0x5c: {  	[tilespmem:$0x86A0] =	vst v1  }
0x5d: {  	[tilespmem:$0x86B0] =	vst v1  }
0x5e: {  	[tilespmem:$0x86C0] =	vst v1  }
0x5f: {  	[tilespmem:$0x86D0] =	vst v1  }
0x60: {  	[tilespmem:$0x86E0] =	vst v1  }
0x61: {  	[tilespmem:$0x86F0] =	vst v1  }
0x62: {  	[spmem:s17] =	stream.linear.scatter [tilespmem:s21], [sflag:$0xB], $0x4000, $0x38;
	[tilespmem:$0x1C980] =	vst v63  }
0x63: {  	_ =	swait.ge [sflag:s22], $0x4000  }
0x64: {  	[sflag:s22] =	ssyncset.done $0x0  }
0x65: {  	s7 =	rddreg [dreg:$0xc];
	[sflag:s22] =	ssyncadd.s32 $0xFFFFC000  }
0x66: {  	[spmem:s7] =	stream.linear.scatter [tilespmem:s21], [sflag:$0xB], $0x4000, $0x38;
	[tilespmem:$0x1C980] =	vst v63  }
0x67: {  	_ =	swait.ge [sflag:s22], $0x4000  }
0x68: {  	[sflag:s22] =	ssyncset.done $0x0  }
0x69: {  	s20 =	rddreg [dreg:$0xd];
	[sflag:s22] =	ssyncadd.s32 $0xFFFFC000  }
0x6a: {  	[spmem:s20] =	stream.linear.scatter [tilespmem:s21], [sflag:$0xB], $0x4000, $0x38;
	[tilespmem:$0x1C980] =	vst v63  }
0x6b: {  	_ =	swait.ge [sflag:s22], $0x4000  }
0x6c: {  	[sflag:s22] =	ssyncset.done $0x0  }
0x6d: {  	s12 =	rddreg [dreg:$0xe];
	[sflag:s22] =	ssyncadd.s32 $0xFFFFC000  }
0x6e: {  	[spmem:s12] =	stream.linear.scatter [tilespmem:s21], [sflag:$0xB], $0x4000, $0x38;
	[tilespmem:$0x1C980] =	vst v63  }
0x6f: {  	_ =	swait.ge [sflag:s22], $0x4000  }
0x70: {  	[sflag:s22] =	ssyncset.done $0x0  }
0x71: {  	s13 =	rddreg [dreg:$0xf];
	[sflag:s22] =	ssyncadd.s32 $0xFFFFC000  }
0x72: {  	[spmem:s13] =	stream.linear.scatter [tilespmem:s21], [sflag:$0xB], $0x4000, $0x38;
	[tilespmem:$0x1C980] =	vst v63  }
0x73: {  	_ =	swait.ge [sflag:s22], $0x4000  }
0x74: {  	[sflag:s22] =	ssyncset.done $0x0  }
0x75: {  	s17 =	simm.s32 $0x8480;
	[sflag:s22] =	ssyncadd.s32 $0xFFFFC000  }
0x76: {  	[spmem:s19] =	stream.linear.scatter [tilespmem:s17], [sflag:$0xB], $0x280, $0x38;
	[tilespmem:$0x1C980] =	vst v63  }
0x77: {  	_ =	swait.ge [sflag:s22], $0x280  }
0x78: {  	[sflag:s22] =	ssyncset.done $0x0  }
0x79: {  	[sflag:s22] =	ssyncadd.s32 $0xFFFFFD80  }
0x7a: {  	[bflag:$0x0] =	sbarrier.arrive $0xFFFF  }
0x7b: {  	s13 =	simm.s32 $0x0;
	s18 =	rddreg [dreg:$0x11]  }
0x7c: {  	[tilespmem:s13], [sflag:$0x7] =	stream.linear.gather [hbm4b:s18+s13], $0x100, $0x38;
	[tilespmem:$0x1C980] =	vst v63  }
0x7d: {  	s19 =	rddreg [dreg:$0x12]  }
0x7e: {  	[tilespmem:s24], [sflag:$0x8] =	stream.linear.gather [hbm4b:s19+s13], $0x100, $0x38;
	[tilespmem:$0x1C980] =	vst v63  }
0x7f: {  	s20 =	rddreg [dreg:$0x13]  }
0x80: {  	[tilespmem:s25], [sflag:$0x9] =	stream.linear.gather [hbm4b:s20+s13], $0x100, $0x38;
	[tilespmem:$0x1C980] =	vst v63  }
0x81: {  	s12 =	rddreg [dreg:$0x14]  }
0x82: {  	[tilespmem:s26], [sflag:$0xA] =	stream.linear.gather [hbm4b:s12+s13], $0x100, $0x38;
	[tilespmem:$0x1C980] =	vst v63  }
0x83: {  	_ =	swait.ge [sflag:s28], $0x100  }
0x84: {  	[sflag:s28] =	ssyncset.done $0x0  }
0x85: {  	[sflag:s28] =	ssyncadd.s32 $0xFFFFFF00  }
0x86: {  	[tilespmem:s21], [sflag:$0x1] =	stream.indirect.gather [hbm4b:s0+s29], $0x80, s13, s29, $0xb8;
	[tilespmem:$0x1C980] =	vst v63  }
0x87: {  	_ =	swait.ge [sflag:s30], $0x100  }
0x88: {  	[sflag:s30] =	ssyncset.done $0x0  }
0x89: {  	[sflag:s30] =	ssyncadd.s32 $0xFFFFFF00  }
0x8a: {  	[tilespmem:s31], [sflag:$0x2] =	stream.indirect.gather [hbm4b:s0+s29], $0x80, s24, s29, $0xb8;
	[tilespmem:$0x1C980] =	vst v63  }
0x8b: {  	_ =	swait.ge [sflag:s3], $0x4000  }
0x8c: {  	[sflag:s3] =	ssyncset.done $0x0  }
0x8d: {  	[sflag:s3] =	ssyncadd.s32 $0xFFFFC000  }
0x8e: {  	[spmem:s4] =	stream.indirect.scatter.add.f32 [tilespmem:s21], [sflag:$0x3], $0x80, s29, s29, $0xb8;
	[tilespmem:$0x1C980] =	vst v63  }
0x8f: {  	_ = 	snop  }
0x90: {  	[spmem:s5] =	stream.indirect.scatter.add.f32 [tilespmem:s23], [sflag:$0x5], $0x1, s29, s29, $0xb8;
	[tilespmem:$0x1C980] =	vst v63  }
0x91: {  	_ =	swait.ge [sflag:s2], $0x4000  }
0x92: {  	[sflag:s2] =	ssyncset.done $0x0  }
0x93: {  	[sflag:s2] =	ssyncadd.s32 $0xFFFFC000  }
0x94: {  	[spmem:s4] =	stream.indirect.scatter.add.f32 [tilespmem:s31], [sflag:$0x4], $0x80, s8, s29, $0xb8;
	[tilespmem:$0x1C980] =	vst v63  }
0x95: {  	_ = 	snop  }
0x96: {  	[spmem:s5] =	stream.indirect.scatter.add.f32 [tilespmem:s23], [sflag:$0x6], $0x1, s8, s29, $0xb8;
	[tilespmem:$0x1C980] =	vst v63  }
0x97: {  	_ =	swait.ge [sflag:s9], $0x4000  }
0x98: {  	[sflag:s9] =	ssyncset.done $0x0;
	s7 =	rddreg [dreg:$0x18]  }
0x99: {  	[sflag:s9] =	ssyncadd.s32 $0xFFFFC000;
	p0 =	slt.s32 s7, $0x9C3;
	s18 =	smov.u32 s7  }
0x9a: {  	_ =	swait.ge [sflag:s10], $0x80;
	s18 =	simm.s32 @!p0 $0x9C3  }
0x9b: {  	[sflag:s10] =	ssyncset.done $0x0;
	s18 =	sshll.u32 s18, $0x5  }
0x9c: {  	[sflag:s10] =	ssyncadd.s32 $0xFFFFFF80;
	s18 =	sadd.s32 s1, s18  }
0x9d: {  	[tilespmem:s6], [sflag:$0x7] =	stream.linear.gather [hbm4b:s18+s6], $0x100, $0x38;
	[tilespmem:$0x1C980] =	vst v63  }
0x9e: {  	_ =	swait.ge [sflag:s11], $0x100  }
0x9f: {  	[sflag:s11] =	ssyncset.done $0x0  }
0xa0: {  	[sflag:s11] =	ssyncadd.s32 $0xFFFFFF00  }
0xa1: {  	[tilespmem:s21], [sflag:$0x1] =	stream.indirect.gather [hbm4b:s0+s29], $0x80, s25, s29, $0xb8;
	[tilespmem:$0x1C980] =	vst v63  }
0xa2: {  	_ =	swait.ge [sflag:s14], $0x4000  }
0xa3: {  	[sflag:s14] =	ssyncset.done $0x0  }
0xa4: {  	[sflag:s14] =	ssyncadd.s32 $0xFFFFC000  }
0xa5: {  	s20 =	smin.u32 s13, $0x4B;
	_ =	swait.ge [sflag:s15], $0x80  }
0xa6: {  	s20 =	sshll.u32 s20, $0x5;
	s17 =	rddreg [dreg:$0x6]  }
0xa7: {  	s18 =	sadd.s32 s17, s20  }
0xa8: {  	s18 =	smin.u32 s18, $0x9C3  }
0xa9: {  	[sflag:s15] =	ssyncset.done $0x0;
	s18 =	sshll.u32 s18, $0x5  }
0xaa: {  	[sflag:s15] =	ssyncadd.s32 $0xFFFFFF80;
	s18 =	sadd.s32 s1, s18  }
0xab: {  	[tilespmem:s24], [sflag:$0x8] =	stream.linear.gather [hbm4b:s18+s6], $0x100, $0x38;
	[tilespmem:$0x1C980] =	vst v63  }
0xac: {  	_ =	swait.ge [sflag:s16], $0x100  }
0xad: {  	[sflag:s16] =	ssyncset.done $0x0  }
0xae: {  	[sflag:s16] =	ssyncadd.s32 $0xFFFFFF00  }
0xaf: {  	[tilespmem:s31], [sflag:$0x2] =	stream.indirect.gather [hbm4b:s0+s29], $0x80, s26, s29, $0xb8;
	[tilespmem:$0x1C980] =	vst v63  }
0xb0: {  	_ =	swait.ge [sflag:s3], $0x4000  }
0xb1: {  	s19 =	rddreg [dreg:$0x7];
	[sflag:s3] =	ssyncset.done $0x0  }
0xb2: {  	[sflag:s3] =	ssyncadd.s32 $0xFFFFC000;
	p1 =	sle.u32 s19, $0x0  }
0xb3: {  	s18 =	simm.s32 @!p1 $0x80;
	s20 =	simm.s32 @!p1 $0x280;
	s12 =	simm.s32 @!p1 $0x400  }
0xb4: {  	[spmem:s4] =	stream.indirect.scatter.add.f32 @!p1 [tilespmem:s12], [sflag:$0x3], $0x80, s20, s18, $0xb8;
	[tilespmem:$0x1C980] =	vst v63  }
0xb5: {  	s12 =	simm.s32 @!p1 $0x8400  }
0xb6: {  	[spmem:s5] =	stream.indirect.scatter.add.f32 @!p1 [tilespmem:s12], [sflag:$0x5], $0x1, s20, s18, $0xb8;
	[tilespmem:$0x1C980] =	vst v63  }
0xb7: {  	_ =	swait.ge [sflag:s2], $0x4000  }
0xb8: {  	s20 =	rddreg [dreg:$0x8];
	[sflag:s2] =	ssyncset.done $0x0  }
0xb9: {  	[sflag:s2] =	ssyncadd.s32 $0xFFFFC000;
	p0 =	sle.u32 s20, $0x0  }
0xba: {  	s12 =	simm.s32 @!p0 $0x80;
	s18 =	simm.s32 @!p0 $0x380;
	s20 =	simm.s32 @!p0 $0x4400  }
0xbb: {  	[spmem:s4] =	stream.indirect.scatter.add.f32 @!p0 [tilespmem:s20], [sflag:$0x4], $0x80, s18, s12, $0xb8;
	[tilespmem:$0x1C980] =	vst v63  }
0xbc: {  	s20 =	simm.s32 @!p0 $0x8400  }
0xbd: {  	[spmem:s5] =	stream.indirect.scatter.add.f32 @!p0 [tilespmem:s20], [sflag:$0x6], $0x1, s18, s12, $0xb8;
	[tilespmem:$0x1C980] =	vst v63  }
0xbe: {  	s12 =	simm.s32 @!p1 $0x3  }
0xbf: {  	_ =	swait.ge @!p1 [sflag:s12], $0x4000  }
0xc0: {  	[sflag:s12] =	ssyncset.done @!p1 $0x0  }
0xc1: {  	s18 =	simm.s32 @!p1 $0x5;
	[sflag:s12] =	ssyncadd.s32 @!p1 $0xFFFFC000  }
0xc2: {  	s19 =	smin.u32 s13, $0x4A;
	_ =	swait.ge @!p1 [sflag:s18], $0x80  }
0xc3: {  	s20 =	sshll.u32 s19, $0x5;
	s17 =	rddreg [dreg:$0x9]  }
0xc4: {  	s12 =	sadd.s32 s17, s20  }
0xc5: {  	s12 =	smin.u32 s12, $0x9C3  }
0xc6: {  	[sflag:s18] =	ssyncset.done @!p1 $0x0;
	s12 =	sshll.u32 s12, $0x5  }
0xc7: {  	[sflag:s18] =	ssyncadd.s32 @!p1 $0xFFFFFF80;
	s12 =	sadd.s32 s1, s12  }
0xc8: {  	[tilespmem:s25], [sflag:$0x9] =	stream.linear.gather [hbm4b:s12+s6], $0x100, $0x38;
	[tilespmem:$0x1C980] =	vst v63  }
0xc9: {  	_ =	swait.ge [sflag:s28], $0x100  }
0xca: {  	[sflag:s28] =	ssyncset.done $0x0  }
0xcb: {  	s12 =	simm.s32 @!p0 $0x4;
	[sflag:s28] =	ssyncadd.s32 $0xFFFFFF00  }
0xcc: {  	[tilespmem:s21], [sflag:$0x1] =	stream.indirect.gather [hbm4b:s0+s29], $0x80, s6, s29, $0xb8;
	[tilespmem:$0x1C980] =	vst v63  }
0xcd: {  	_ =	swait.ge @!p0 [sflag:s12], $0x4000  }
0xce: {  	[sflag:s12] =	ssyncset.done @!p0 $0x0  }
0xcf: {  	s18 =	simm.s32 @!p0 $0x6;
	[sflag:s12] =	ssyncadd.s32 @!p0 $0xFFFFC000  }
0xd0: {  	s13 =	smin.u32 s13, $0x49;
	_ =	swait.ge @!p0 [sflag:s18], $0x80  }
0xd1: {  	s13 =	sshll.u32 s13, $0x5;
	s20 =	rddreg [dreg:$0xa]  }
0xd2: {  	s12 =	sadd.s32 s20, s13  }
0xd3: {  	s12 =	smin.u32 s12, $0x9C3  }
0xd4: {  	[sflag:s18] =	ssyncset.done @!p0 $0x0;
	s12 =	sshll.u32 s12, $0x5  }
0xd5: {  	[sflag:s18] =	ssyncadd.s32 @!p0 $0xFFFFFF80;
	s12 =	sadd.s32 s1, s12  }
0xd6: {  	[tilespmem:s26], [sflag:$0xA] =	stream.linear.gather [hbm4b:s12+s6], $0x100, $0x38;
	[tilespmem:$0x1C980] =	vst v63  }
0xd7: {  	s18 =	simm.s32 $0x4;
	s20 =	smov.u32 s7;
	_ =	swait.ge [sflag:s30], $0x100  }
.LBB2_4:
0xd8: {  	[sflag:s30] =	ssyncset.done $0x0  }
0xd9: {  	[sflag:s30] =	ssyncadd.s32 $0xFFFFFF00  }
0xda: {  	[tilespmem:s31], [sflag:$0x2] =	stream.indirect.gather [hbm4b:s0+s29], $0x80, s24, s29, $0xb8;
	[tilespmem:$0x1C980] =	vst v63  }
0xdb: {  	_ =	swait.ge [sflag:s3], $0x4000  }
0xdc: {  	[sflag:s3] =	ssyncset.done $0x0  }
0xdd: {  	[sflag:s3] =	ssyncadd.s32 $0xFFFFC000  }
0xde: {  	[spmem:s4] =	stream.indirect.scatter.add.f32 [tilespmem:s21], [sflag:$0x3], $0x80, s29, s29, $0xb8;
	[tilespmem:$0x1C980] =	vst v63  }
0xdf: {  	_ = 	snop  }
0xe0: {  	[spmem:s5] =	stream.indirect.scatter.add.f32 [tilespmem:s23], [sflag:$0x5], $0x1, s29, s29, $0xb8;
	[tilespmem:$0x1C980] =	vst v63  }
0xe1: {  	_ =	swait.ge [sflag:s2], $0x4000  }
0xe2: {  	[sflag:s2] =	ssyncset.done $0x0  }
0xe3: {  	[sflag:s2] =	ssyncadd.s32 $0xFFFFC000  }
0xe4: {  	[spmem:s4] =	stream.indirect.scatter.add.f32 [tilespmem:s31], [sflag:$0x4], $0x80, s8, s29, $0xb8;
	[tilespmem:$0x1C980] =	vst v63  }
0xe5: {  	_ = 	snop  }
0xe6: {  	[spmem:s5] =	stream.indirect.scatter.add.f32 [tilespmem:s23], [sflag:$0x6], $0x1, s8, s29, $0xb8;
	[tilespmem:$0x1C980] =	vst v63  }
0xe7: {  	_ =	swait.ge [sflag:s9], $0x4000  }
0xe8: {  	s20 =	sadd.s32 $0x80, s20;
	[sflag:s9] =	ssyncset.done $0x0  }
0xe9: {  	p1 =	slt.s32 s20, $0x9C3;
	s12 =	smov.u32 s20;
	[sflag:s9] =	ssyncadd.s32 $0xFFFFC000  }
0xea: {  	s12 =	simm.s32 @!p1 $0x9C3;
	_ =	swait.ge [sflag:s10], $0x80  }
0xeb: {  	s12 =	sshll.u32 s12, $0x5;
	[sflag:s10] =	ssyncset.done $0x0  }
0xec: {  	s12 =	sadd.s32 s1, s12;
	[sflag:s10] =	ssyncadd.s32 $0xFFFFFF80  }
0xed: {  	[tilespmem:s6], [sflag:$0x7] =	stream.linear.gather [hbm4b:s12+s6], $0x100, $0x38;
	[tilespmem:$0x1C980] =	vst v63  }
0xee: {  	_ =	swait.ge [sflag:s11], $0x100  }
0xef: {  	[sflag:s11] =	ssyncset.done $0x0  }
0xf0: {  	[sflag:s11] =	ssyncadd.s32 $0xFFFFFF00  }
0xf1: {  	[tilespmem:s21], [sflag:$0x1] =	stream.indirect.gather [hbm4b:s0+s29], $0x80, s25, s29, $0xb8;
	[tilespmem:$0x1C980] =	vst v63  }
0xf2: {  	_ =	swait.ge [sflag:s14], $0x4000  }
0xf3: {  	[sflag:s14] =	ssyncset.done $0x0  }
0xf4: {  	s13 =	smov.u32 s18;
	[sflag:s14] =	ssyncadd.s32 $0xFFFFC000  }
0xf5: {  	s7 =	smin.u32 s13, $0x4B;
	_ =	swait.ge [sflag:s15], $0x80  }
0xf6: {  	s7 =	sshll.u32 s7, $0x5;
	s17 =	rddreg [dreg:$0x6]  }
0xf7: {  	s7 =	sadd.s32 s17, s7  }
0xf8: {  	s7 =	smin.u32 s7, $0x9C3  }
0xf9: {  	[sflag:s15] =	ssyncset.done $0x0;
	s7 =	sshll.u32 s7, $0x5  }
0xfa: {  	[sflag:s15] =	ssyncadd.s32 $0xFFFFFF80;
	s7 =	sadd.s32 s1, s7  }
0xfb: {  	[tilespmem:s24], [sflag:$0x8] =	stream.linear.gather [hbm4b:s7+s6], $0x100, $0x38;
	[tilespmem:$0x1C980] =	vst v63  }
0xfc: {  	_ =	swait.ge [sflag:s16], $0x100  }
0xfd: {  	[sflag:s16] =	ssyncset.done $0x0  }
0xfe: {  	[sflag:s16] =	ssyncadd.s32 $0xFFFFFF00  }
0xff: {  	[tilespmem:s31], [sflag:$0x2] =	stream.indirect.gather [hbm4b:s0+s29], $0x80, s26, s29, $0xb8;
	[tilespmem:$0x1C980] =	vst v63  }
0x100: {  	_ =	swait.ge [sflag:s3], $0x4000  }
0x101: {  	s19 =	rddreg [dreg:$0x7];
	[sflag:s3] =	ssyncset.done $0x0  }
0x102: {  	[sflag:s3] =	ssyncadd.s32 $0xFFFFC000;
	p2 =	sge.u32 s13, s19  }
0x103: {  	s7 =	simm.s32 @!p2 $0x80;
	s12 =	simm.s32 @!p2 $0x280;
	s19 =	simm.s32 @!p2 $0x400  }
0x104: {  	[spmem:s4] =	stream.indirect.scatter.add.f32 @!p2 [tilespmem:s19], [sflag:$0x3], $0x80, s12, s7, $0xb8;
	[tilespmem:$0x1C980] =	vst v63  }
0x105: {  	s19 =	simm.s32 @!p2 $0x8400  }
0x106: {  	[spmem:s5] =	stream.indirect.scatter.add.f32 @!p2 [tilespmem:s19], [sflag:$0x5], $0x1, s12, s7, $0xb8;
	[tilespmem:$0x1C980] =	vst v63  }
0x107: {  	_ =	swait.ge [sflag:s2], $0x4000  }
0x108: {  	s12 =	rddreg [dreg:$0x8];
	[sflag:s2] =	ssyncset.done $0x0  }
0x109: {  	[sflag:s2] =	ssyncadd.s32 $0xFFFFC000;
	p1 =	sge.u32 s13, s12  }
0x10a: {  	s12 =	simm.s32 @!p1 $0x80;
	s19 =	simm.s32 @!p1 $0x380;
	s17 =	simm.s32 @!p1 $0x4400  }
0x10b: {  	[spmem:s4] =	stream.indirect.scatter.add.f32 @!p1 [tilespmem:s17], [sflag:$0x4], $0x80, s19, s12, $0xb8;
	[tilespmem:$0x1C980] =	vst v63  }
0x10c: {  	s7 =	simm.s32 @!p2 $0x3;
	s17 =	simm.s32 @!p1 $0x8400  }
0x10d: {  	[spmem:s5] =	stream.indirect.scatter.add.f32 @!p1 [tilespmem:s17], [sflag:$0x6], $0x1, s19, s12, $0xb8;
	[tilespmem:$0x1C980] =	vst v63  }
0x10e: {  	_ =	swait.ge @!p2 [sflag:s7], $0x4000  }
0x10f: {  	[sflag:s7] =	ssyncset.done @!p2 $0x0  }
0x110: {  	s12 =	simm.s32 @!p2 $0x5;
	[sflag:s7] =	ssyncadd.s32 @!p2 $0xFFFFC000  }
0x111: {  	s17 =	smin.u32 s13, $0x4A;
	_ =	swait.ge @!p2 [sflag:s12], $0x80  }
0x112: {  	s7 =	sshll.u32 s17, $0x5;
	s19 =	rddreg [dreg:$0x9]  }
0x113: {  	s7 =	sadd.s32 s19, s7  }
0x114: {  	s7 =	smin.u32 s7, $0x9C3  }
0x115: {  	[sflag:s12] =	ssyncset.done @!p2 $0x0;
	s7 =	sshll.u32 s7, $0x5  }
0x116: {  	[sflag:s12] =	ssyncadd.s32 @!p2 $0xFFFFFF80;
	s7 =	sadd.s32 s1, s7  }
0x117: {  	[tilespmem:s25], [sflag:$0x9] =	stream.linear.gather [hbm4b:s7+s6], $0x100, $0x38;
	[tilespmem:$0x1C980] =	vst v63  }
0x118: {  	_ =	swait.ge [sflag:s28], $0x100  }
0x119: {  	[sflag:s28] =	ssyncset.done $0x0  }
0x11a: {  	s7 =	simm.s32 @!p1 $0x4;
	[sflag:s28] =	ssyncadd.s32 $0xFFFFFF00  }
0x11b: {  	[tilespmem:s21], [sflag:$0x1] =	stream.indirect.gather [hbm4b:s0+s29], $0x80, s6, s29, $0xb8;
	[tilespmem:$0x1C980] =	vst v63  }
0x11c: {  	_ =	swait.ge @!p1 [sflag:s7], $0x4000  }
0x11d: {  	[sflag:s7] =	ssyncset.done @!p1 $0x0  }
0x11e: {  	s12 =	simm.s32 @!p1 $0x6;
	[sflag:s7] =	ssyncadd.s32 @!p1 $0xFFFFC000  }
0x11f: {  	s17 =	smin.u32 s13, $0x49;
	_ =	swait.ge @!p1 [sflag:s12], $0x80  }
0x120: {  	s18 =	sadd.s32 $0x4, s18;
	s7 =	sshll.u32 s17, $0x5;
	s19 =	rddreg [dreg:$0xa]  }
0x121: {  	p0 =	sne.s32 s18, $0x50;
	s7 =	sadd.s32 s19, s7  }
.Ltmp1:
0x122: {  	s7 =	smin.u32 s7, $0x9C3;
	(pc) =	sbr.rel @p0 .LBB2_4-.Ltmp1, $4  }
0x123: {  	[sflag:s12] =	ssyncset.done @!p1 $0x0;
	s7 =	sshll.u32 s7, $0x5  }
0x124: {  	[sflag:s12] =	ssyncadd.s32 @!p1 $0xFFFFFF80;
	s7 =	sadd.s32 s1, s7  }
0x125: {  	[tilespmem:s26], [sflag:$0xA] =	stream.linear.gather [hbm4b:s7+s6], $0x100, $0x38;
	[tilespmem:$0x1C980] =	vst v63  }
0x126: {  	_ =	swait.ge [sflag:s30], $0x100  }
0x127: {  	[sflag:s30] =	ssyncset.done $0x0  }
0x128: {  	[sflag:s30] =	ssyncadd.s32 $0xFFFFFF00  }
0x129: {  	[tilespmem:s31], [sflag:$0x2] =	stream.indirect.gather [hbm4b:s0+s29], $0x80, s24, s29, $0xb8;
	[tilespmem:$0x1C980] =	vst v63  }
0x12a: {  	_ =	swait.ge [sflag:s3], $0x4000  }
0x12b: {  	[sflag:s3] =	ssyncset.done $0x0  }
0x12c: {  	[sflag:s3] =	ssyncadd.s32 $0xFFFFC000  }
0x12d: {  	_ =	swait.ge [sflag:s2], $0x4000  }
0x12e: {  	[sflag:s2] =	ssyncset.done $0x0  }
0x12f: {  	[sflag:s2] =	ssyncadd.s32 $0xFFFFC000  }
0x130: {  	_ =	swait.ge [sflag:s11], $0x100  }
0x131: {  	[sflag:s11] =	ssyncset.done $0x0  }
0x132: {  	[sflag:s11] =	ssyncadd.s32 $0xFFFFFF00  }
0x133: {  	_ =	swait.ge [sflag:s16], $0x100  }
0x134: {  	[sflag:s16] =	ssyncset.done $0x0  }
0x135: {  	[sflag:s16] =	ssyncadd.s32 $0xFFFFFF00  }
0x136: {  	s7 =	stileid.u32;
	[bflag:$0x0] =	sbarrier.arrive $0xFFFF  }
0x137: {  	s7 =	sshll.u32 s7, $0x6;
	s17 =	rddreg [dreg:$0xb]  }
0x138: {  	s7 =	sor.u32 $0x1C0B, s7;
	s13 =	rddreg [dreg:$0x15];
	s12 =	sshrl.u32 s17, $0x3  }
0x139: {  	[hbm:s13], [sflag:s7] =	dma.local [spmem:s12], $0x2800  }
0x13a: {  	s18 =	simm.s32 $0x20;
	_ =	swait.ge [sflag:s22], $0x2800  }
0x13b: {  	s20 =	simm.s32 $0x10;
	[sflag:s22] =	ssyncset.done $0x0;
	s19 =	rddreg [dreg:$0x10]  }
0x13c: {  	s13 =	rddreg [dreg:$0x16];
	[sflag:s22] =	ssyncadd.s32 $0xFFFFD800;
	s12 =	sshrl.u32 s19, $0x3  }
0x13d: {  	[hbm:s13@s18], [sflag:s7] =	dma.strided [spmem:s12@s20], $0x50, s3, $0x10   }
0x13e: {  	_ =	swait.ge [sflag:s22], $0x50  }
0x13f: {  	s18 =	rddreg [dreg:$0x19]  }
0x140: {  	s20 =	rddreg [dreg:$0x17];
	s12 =	sadd.s32 $0x1, s18  }
0x141: {  	p0 =	sne.s32 s12, s20  }
.Ltmp2:
0x142: {  	_ = 	snop;
	(pc) =	sbr.rel @p0 .LBB2_1-.Ltmp2, $3  }
0x143: {  	_ =	sdelay $0x1  }
0x144: {  	[sflag:s22] =	ssyncset.done $0x0  }
0x145: {  	[sflag:s22] =	ssyncadd.s32 $0xFFFFFFB0  }
0x146: {  	_ =	sfence.sel $0x180000  }
0x147: {  	[bflag:$0x0] =	sbarrier.arrive $0xFFFF  }
0x148: {  	_ =	strace $0x90000047  }
0x149: {  	s0 =	stileid.u32;
	[bflag:$0x2] =	sbarrier.arrive $0xFFFF  }
0x14a: {  	p0 =	sne.s32 s0, $0x0;
	s0 =	rddreg [dreg:$0x5]  }
0x14b: {  	s0 =	sadd.s32 @!p0 $0x100000, s0  }
0x14c: {  	[sflag:s0] =	ssyncadd.tile.s32 @!p0 $0x1;
	_ =	shalt  }
.Lfunc_end2:
_tile_overlayer_lowered:
.L_overlay_start_2:
0x14d: {  	(tag) =	ssettag $0x2  }
0x14e: {  	s0 =	rddreg [dreg:$0x0];
	s2 =	stileid.u32  }
0x14f: {  	s1 =	rddreg [dreg:$0x1];
	p0 =	sne.s32 s2, $0x0  }
0x150: {  	s3 =	rddreg [dreg:$0x2];
	[bflag:$0x3] =	sbarrier.arrive $0xFFFF;
	s2 =	simm.s32 @!p0 $0x1C0B  }
0x151: {  	[timem:s3], [sflag:s2] =	dma.local @!p0 [hbm:s0], s1  }
0x152: {  	s0 =	simm.s32 @!p0 $0xB  }
0x153: {  	_ =	swait.ge @!p0 [sflag:s0], s1  }
0x154: {  	s1 =	ssub.s32 @!p0 $0x0, s1;
	[sflag:s0] =	ssyncset.done @!p0 $0x0  }
0x155: {  	[sflag:s0] =	ssyncadd.s32 @!p0 s1  }
0x156: {  	[bflag:$0x3] =	sbarrier.arrive $0xFFFF  }
0x157: {  	_ =	shalt  }

</sc_bundles>
